<compile_context>
chip_gen: v7x
topology: tpu7x:2x2x1
jax: 0.10.2.dev20260603
libtpu: 0.0.44.dev20260713+nightly
codegen_flags: <defaults>
</compile_context>

<pallas_src>
import dataclasses

import jax
import jax.numpy as jnp
from jax import lax
from jax.experimental import pallas as pl
from jax.experimental.pallas import tpu as pltpu
from jax.experimental.pallas import tpu_sc as plsc

N = 10000
E = 320000
F_IN = 128
HEADS = 8
C = 32
HID = 256
NUM_CLASSES = 6
HALF = 128
LANES = 16
NSC = 2
NTILE = 16
NPAD = 10112
CHUNK = 64
ETOT = E + N
EPAD = ((ETOT + NTILE * CHUNK - 1) // (NTILE * CHUNK)) * (NTILE * CHUNK)
EPT = EPAD // NTILE
NCHUNK = EPT // CHUNK
EPT2 = EPAD // (NSC * NTILE)
NCHUNK2 = EPT2 // CHUNK
NR = 32
NROUND = NPAD // NR
NQ = (NROUND + NTILE - 1) // NTILE


def _prep_body(x_ref, wg_ref, asrc_ref, adst_ref, m_ref, h3_ref, ab_ref):
    h = jnp.dot(x_ref[...], wg_ref[...], preferred_element_type=jnp.float32)
    h3_ref[0:N, :] = h[:, :HALF]
    h3_ref[NPAD:NPAD + N, :] = h[:, HALF:]
    zrows = jnp.zeros((NPAD - N, HALF), jnp.float32)
    h3_ref[N:NPAD, :] = zrows
    h3_ref[NPAD + N:, :] = zrows
    ab_ref[:N, 0:LANES] = jnp.dot(h * asrc_ref[...], m_ref[...],
                                  preferred_element_type=jnp.float32)
    ab_ref[:N, LANES:2 * LANES] = jnp.dot(h * adst_ref[...], m_ref[...],
                                          preferred_element_type=jnp.float32)
    ab_ref[:N, 2 * LANES:] = jnp.zeros((N, HALF - 2 * LANES), jnp.float32)
    ab_ref[N:, :] = jnp.zeros((NPAD - N, HALF), jnp.float32)


def _s1_body(src_hbm, dst_hbm, ab_hbm, h3f_hbm, riota_hbm, outp_hbm, ea_hbm,
             out_sh, isrc, idst, sb, db, eb, hb, zbuf, ridx):
    c = lax.axis_index("c")
    s = lax.axis_index("s")

    @pl.loop(0, NR)
    def _zb(i):
        for j in range(HALF // LANES):
            zbuf[i, pl.ds(LANES * j, LANES)] = jnp.zeros((LANES,), jnp.float32)

    @pl.loop(0, NQ)
    def _init(q):
        cid = s + NTILE * q

        @pl.when(cid < NROUND)
        def _():
            pltpu.sync_copy(riota_hbm.at[pl.ds(cid * NR, NR)], ridx)
            pltpu.sync_copy(zbuf, out_sh.at[ridx])

    plsc.subcore_barrier()

    @pl.loop(0, NCHUNK)
    def _chunk(k):
        base = s * EPT + k * CHUNK
        pltpu.sync_copy(src_hbm.at[pl.ds(base, CHUNK)], isrc)
        pltpu.sync_copy(dst_hbm.at[pl.ds(base, CHUNK)], idst)
        pltpu.sync_copy(ab_hbm.at[isrc], sb)
        pltpu.sync_copy(ab_hbm.at[idst], db)

        @pl.loop(0, CHUNK // LANES)
        def _bias(q):
            isrc[pl.ds(q * LANES, LANES)] = (
                isrc[pl.ds(q * LANES, LANES)] + c * NPAD)

        pltpu.sync_copy(h3f_hbm.at[isrc], hb)

        @pl.loop(0, CHUNK)
        def _edge(e):
            v = sb[e, 0:LANES] + db[e, LANES:2 * LANES]
            v = jnp.maximum(v, 0.2 * v)
            v = jnp.exp(v)
            eb[e, :] = v
            eidx = jnp.full((LANES,), e, jnp.int32)
            for j in range(4):
                widx = jnp.full((LANES,), 4 * c + j, jnp.int32)
                wv = plsc.load_gather(eb, [eidx, widx])
                for t in range(2):
                    col = 32 * j + LANES * t
                    hb[e, pl.ds(col, LANES)] = hb[e, pl.ds(col, LANES)] * wv

        pltpu.sync_copy(hb, out_sh.at[idst], add=True)

        @pl.when(c == 0)
        def _wea():
            pltpu.sync_copy(eb, ea_hbm.at[pl.ds(base, CHUNK)])

    plsc.subcore_barrier()

    @pl.loop(0, NQ)
    def _drain(q):
        cid = s + NTILE * q

        @pl.when(cid < NROUND)
        def _():
            pltpu.sync_copy(riota_hbm.at[pl.ds(cid * NR, NR)], ridx)
            pltpu.sync_copy(out_sh.at[ridx], zbuf)
            pltpu.sync_copy(zbuf, outp_hbm.at[pl.ds(c * NPAD + cid * NR, NR)])


def _s2_body(dst_hbm, ea_hbm, riota_hbm, asum_hbm, asum_sh, idst, eb, wb,
             zbuf, ridx):
    c = lax.axis_index("c")
    s = lax.axis_index("s")

    @pl.loop(0, NR)
    def _zb(i):
        for j in range(HALF // LANES):
            zbuf[i, pl.ds(LANES * j, LANES)] = jnp.zeros((LANES,), jnp.float32)

    @pl.loop(0, CHUNK)
    def _zw(i):
        for j in range(HALF // LANES):
            wb[i, pl.ds(LANES * j, LANES)] = jnp.zeros((LANES,), jnp.float32)

    @pl.loop(0, NQ)
    def _init(q):
        cid = s + NTILE * q

        @pl.when(cid < NROUND)
        def _():
            pltpu.sync_copy(riota_hbm.at[pl.ds(cid * NR, NR)], ridx)
            pltpu.sync_copy(zbuf, asum_sh.at[ridx])

    plsc.subcore_barrier()

    @pl.loop(0, NCHUNK2)
    def _chunk(k):
        base = (c * NTILE + s) * EPT2 + k * CHUNK
        pltpu.sync_copy(dst_hbm.at[pl.ds(base, CHUNK)], idst)
        pltpu.sync_copy(ea_hbm.at[pl.ds(base, CHUNK)], eb)

        @pl.loop(0, CHUNK)
        def _edge(e):
            wb[e, 0:LANES] = eb[e, :]

        pltpu.sync_copy(wb, asum_sh.at[idst], add=True)

    plsc.subcore_barrier()

    @pl.loop(0, NQ)
    def _drain(q):
        cid = s + NTILE * q

        @pl.when(cid < NROUND)
        def _():
            pltpu.sync_copy(riota_hbm.at[pl.ds(cid * NR, NR)], ridx)
            pltpu.sync_copy(asum_sh.at[ridx], zbuf)
            pltpu.sync_copy(zbuf, asum_hbm.at[pl.ds(c * NPAD + cid * NR, NR)])


def _head_body(outp_ref, asum_ref, r_ref, bias_ref, w1_ref, b1_ref, w2_ref,
               b2_ref, o_ref):
    asum = asum_ref[0:N, 0:LANES] + asum_ref[NPAD:NPAD + N, 0:LANES]
    inv = 1.0 / (asum + 1e-16)
    inv_exp = jnp.dot(inv, r_ref[...], preferred_element_type=jnp.float32)
    o = jnp.concatenate([outp_ref[0:N, :], outp_ref[NPAD:NPAD + N, :]], axis=1)
    o = o * inv_exp + bias_ref[...]
    o = jnp.where(o > 0.0, o, jnp.exp(o) - 1.0)
    pooled = jnp.sum(o, axis=0, keepdims=True) * (1.0 / N)
    z = jnp.dot(pooled, w1_ref[...], preferred_element_type=jnp.float32)
    z = jnp.maximum(z + b1_ref[...], 0.0)
    o_ref[...] = jnp.dot(z, w2_ref[...],
                         preferred_element_type=jnp.float32) + b2_ref[...]


def kernel(x, edge_index, W_gat, att_src, att_dst, gat_bias, W1, b1, W2, b2):
    ei = edge_index.astype(jnp.int32)
    loops = jnp.arange(N, dtype=jnp.int32)
    padi = jnp.full((EPAD - ETOT,), N, jnp.int32)
    src = jnp.concatenate([ei[0], loops, padi])
    dst = jnp.concatenate([ei[1], loops, padi])
    riota = jnp.arange(NPAD, dtype=jnp.int32)

    asrc = att_src.reshape(1, HEADS * C).astype(jnp.float32)
    adst = att_dst.reshape(1, HEADS * C).astype(jnp.float32)
    g = jnp.arange(HEADS * C)[:, None] // C
    k16 = jnp.arange(LANES)[None, :] % HEADS
    m = (g == k16).astype(jnp.float32)
    r = 0.5 * m.T

    h3, ab = pl.pallas_call(
        _prep_body,
        out_shape=[
            jax.ShapeDtypeStruct((NSC * NPAD, HALF), jnp.float32),
            jax.ShapeDtypeStruct((NPAD, HALF), jnp.float32),
        ],
    )(x, W_gat, asrc, adst, m)

    mesh = plsc.VectorSubcoreMesh(core_axis_name="c", subcore_axis_name="s")
    cp = pltpu.CompilerParams()
    if "needs_layout_passes" in pltpu.CompilerParams.__dataclass_fields__:
        cp = dataclasses.replace(cp, needs_layout_passes=False)

    s1 = pl.kernel(
        _s1_body,
        out_type=[
            jax.ShapeDtypeStruct((NSC * NPAD, HALF), jnp.float32),
            jax.ShapeDtypeStruct((EPAD, LANES), jnp.float32),
        ],
        mesh=mesh,
        compiler_params=cp,
        scratch_types=[
            pltpu.VMEM_SHARED((NPAD, HALF), jnp.float32),
            pltpu.VMEM((CHUNK,), jnp.int32),
            pltpu.VMEM((CHUNK,), jnp.int32),
            pltpu.VMEM((CHUNK, HALF), jnp.float32),
            pltpu.VMEM((CHUNK, HALF), jnp.float32),
            pltpu.VMEM((CHUNK, LANES), jnp.float32),
            pltpu.VMEM((CHUNK, HALF), jnp.float32),
            pltpu.VMEM((NR, HALF), jnp.float32),
            pltpu.VMEM((NR,), jnp.int32),
        ],
    )
    outp, ea = s1(src, dst, ab, h3, riota)

    s2 = pl.kernel(
        _s2_body,
        out_type=jax.ShapeDtypeStruct((NSC * NPAD, HALF), jnp.float32),
        mesh=mesh,
        compiler_params=cp,
        scratch_types=[
            pltpu.VMEM_SHARED((NPAD, HALF), jnp.float32),
            pltpu.VMEM((CHUNK,), jnp.int32),
            pltpu.VMEM((CHUNK, LANES), jnp.float32),
            pltpu.VMEM((CHUNK, HALF), jnp.float32),
            pltpu.VMEM((NR, HALF), jnp.float32),
            pltpu.VMEM((NR,), jnp.int32),
        ],
    )
    asum = s2(dst, ea, riota)

    logits = pl.pallas_call(
        _head_body,
        out_shape=jax.ShapeDtypeStruct((1, NUM_CLASSES), jnp.float32),
    )(outp, asum, r, gat_bias.astype(jnp.float32), W1, b1, W2, b2)
    return logits

# --- scband reference (transcript-rebuilt; emitter-appended) ---
"""Pipeline reference for scband-zone-classifier-21655225106564 (READ-ONLY COPY).

The authoritative reference and input builder live on the scoring server;
editing this copy changes nothing except your own understanding.
"""

import jax, jax.numpy as jnp
import numpy as np

N = 10000
E = 320000
F_IN = 128
HEADS = 8
C = 32  # out_channels per head = hidden_dim // heads = 256 // 8
HID = 256
NUM_CLASSES = 6


def setup_inputs(seed: int = 0) -> dict:
    key = jax.random.key(seed)
    ks = jax.random.split(key, 12)
    x = jax.random.normal(ks[0], (N, F_IN), dtype=jnp.float32)
    edge_index = jax.random.randint(ks[1], (2, E), 0, N)
    # GATConv parameters (PyG layout: lin weight maps F_IN -> HEADS*C)
    W_gat = jax.random.normal(ks[2], (F_IN, HEADS * C), dtype=jnp.float32) * (1.0 / np.sqrt(F_IN))
    att_src = jax.random.normal(ks[3], (1, HEADS, C), dtype=jnp.float32) * 0.1
    att_dst = jax.random.normal(ks[4], (1, HEADS, C), dtype=jnp.float32) * 0.1
    gat_bias = jnp.zeros((HEADS * C,), dtype=jnp.float32)
    # MLP head
    W1 = jax.random.normal(ks[5], (HID, HID // 2), dtype=jnp.float32) * (1.0 / np.sqrt(HID))
    b1 = jnp.zeros((HID // 2,), dtype=jnp.float32)
    W2 = jax.random.normal(ks[6], (HID // 2, NUM_CLASSES), dtype=jnp.float32) * (1.0 / np.sqrt(HID // 2))
    b2 = jnp.zeros((NUM_CLASSES,), dtype=jnp.float32)
    return {"x": x, "edge_index": edge_index, "W_gat": W_gat, "att_src": att_src,
            "att_dst": att_dst, "gat_bias": gat_bias, "W1": W1, "b1": b1, "W2": W2, "b2": b2}


def _gat_conv(x, edge_index, W_gat, att_src, att_dst, gat_bias):
    num_nodes = x.shape[0]
    # PyG GATConv default: add_self_loops=True
    loops = jnp.arange(num_nodes, dtype=edge_index.dtype)
    ei = jnp.concatenate([edge_index, jnp.stack([loops, loops])], axis=1)
    src, dst = ei[0], ei[1]
    h = (x @ W_gat).reshape(num_nodes, HEADS, C)
    alpha_src = (h * att_src).sum(-1)  # [N, H]
    alpha_dst = (h * att_dst).sum(-1)  # [N, H]
    alpha = alpha_src[src] + alpha_dst[dst]  # [Etot, H] (gather)
    alpha = jax.nn.leaky_relu(alpha, negative_slope=0.2)
    # softmax over incoming edges per dst node (segment max/sum)
    amax = jax.ops.segment_max(alpha, dst, num_segments=num_nodes)
    alpha = jnp.exp(alpha - amax[dst])
    asum = jax.ops.segment_sum(alpha, dst, num_segments=num_nodes)
    alpha = alpha / (asum[dst] + 1e-16)
    # dropout on attention (p=0.1) is identity in eval mode
    msg = h[src] * alpha[:, :, None]  # gather + weight
    out = jax.ops.segment_sum(msg, dst, num_segments=num_nodes)  # scatter-add
    out = out.reshape(num_nodes, HEADS * C) + gat_bias
    return out


def reference(x, edge_index, W_gat, att_src, att_dst, gat_bias, W1, b1, W2, b2):
    h = _gat_conv(x, edge_index, W_gat, att_src, att_dst, gat_bias)
    h = jax.nn.elu(h)  # GATLayer applies ELU
    pooled = h.mean(axis=0, keepdims=True)  # [1, 256]
    z = jax.nn.relu(pooled @ W1 + b1)
    # dropout p=0.5 is identity in eval mode
    logits = z @ W2 + b2  # [1, 6]
    return logits

if __name__ == "__main__":
    import jax
    _d = setup_inputs()
    print(jax.jit(kernel)(*tuple(_d.values())))

</pallas_src>

<mosaic_0001>
#map = affine_map<(d0, d1) -> (0)>
#map1 = affine_map<(d0, d1) -> (0, 0)>
module attributes {stable_mosaic.version = 14 : i64} {
  func.func @_s1_body(%arg0: i32, %arg1: i32, %arg2: memref<330752xi32, #tpu.memory_space<hbm>>, %arg3: memref<330752xi32, #tpu.memory_space<hbm>>, %arg4: memref<10112x128xf32, #tpu.memory_space<hbm>>, %arg5: memref<20224x128xf32, #tpu.memory_space<hbm>>, %arg6: memref<10112xi32, #tpu.memory_space<hbm>>, %arg7: memref<20224x128xf32, #tpu.memory_space<hbm>>, %arg8: memref<330752x16xf32, #tpu.memory_space<hbm>>, %arg9: memref<10112x128xf32, #tpu.memory_space<vmem_shared>>, %arg10: memref<64xi32, #tpu.memory_space<vmem>>, %arg11: memref<64xi32, #tpu.memory_space<vmem>>, %arg12: memref<64x128xf32, #tpu.memory_space<vmem>>, %arg13: memref<64x128xf32, #tpu.memory_space<vmem>>, %arg14: memref<64x16xf32, #tpu.memory_space<vmem>>, %arg15: memref<64x128xf32, #tpu.memory_space<vmem>>, %arg16: memref<32x128xf32, #tpu.memory_space<vmem>>, %arg17: memref<32xi32, #tpu.memory_space<vmem>>) attributes {dimension_semantics = [#tpu.dimension_semantics<core_parallel>, #tpu.dimension_semantics<subcore_parallel>], iteration_bounds = array<i64: 2, 16>, scalar_prefetch = 0 : i64, scratch_operands = 9 : i64, tpu.core_type = #tpu.core_type<sc_vector_subcore>, window_params = [{transform_indices = #map}, {transform_indices = #map}, {transform_indices = #map1}, {transform_indices = #map1}, {transform_indices = #map}, {transform_indices = #map1}, {transform_indices = #map1}]} {
    %scan3A = arith.constant 0 : i32
    %scan3A_0 = arith.constant 32 : i32
    %scan3A_1 = arith.addi %scan3A, %scan3A_0 : i32
    %scan3A_2 = arith.constant 1 : i32
    scf.for %scan3A_20 = %scan3A to %scan3A_1 step %scan3A_2  : i32 {
      %mul3A = arith.constant 1 : i32
      %mul3A_21 = arith.muli %scan3A_20, %mul3A : i32
      %add3A = arith.constant 0 : i32
      %add3A_22 = arith.addi %add3A, %mul3A_21 : i32
      %broadcast_in_dim3A = arith.constant 0.000000e+00 : f32
      %broadcast_in_dim3A_23 = vector.broadcast %broadcast_in_dim3A : f32 to vector<16xf32>
      %swap3A = arith.index_cast %add3A_22 : i32 to index
      %swap3A_24 = arith.constant 0 : index
      %swap3A_25 = tpu.vector_load %arg16[%swap3A, %swap3A_24] {strides = array<i32>} : memref<32x128xf32, #tpu.memory_space<vmem>>, vector<16xf32>,
      tpu.vector_store %arg16[%swap3A, %swap3A_24], %broadcast_in_dim3A_23 {strides = array<i32>} : memref<32x128xf32, #tpu.memory_space<vmem>>, vector<16xf32>,
      %broadcast_in_dim3A_26 = arith.constant 0.000000e+00 : f32
      %broadcast_in_dim3A_27 = vector.broadcast %broadcast_in_dim3A_26 : f32 to vector<16xf32>
      %swap3A_28 = arith.index_cast %add3A_22 : i32 to index
      %swap3A_29 = arith.constant 16 : index
      %swap3A_30 = tpu.vector_load %arg16[%swap3A_28, %swap3A_29] {strides = array<i32>} : memref<32x128xf32, #tpu.memory_space<vmem>>, vector<16xf32>,
      tpu.vector_store %arg16[%swap3A_28, %swap3A_29], %broadcast_in_dim3A_27 {strides = array<i32>} : memref<32x128xf32, #tpu.memory_space<vmem>>, vector<16xf32>,
      %broadcast_in_dim3A_31 = arith.constant 0.000000e+00 : f32
      %broadcast_in_dim3A_32 = vector.broadcast %broadcast_in_dim3A_31 : f32 to vector<16xf32>
      %swap3A_33 = arith.index_cast %add3A_22 : i32 to index
      %swap3A_34 = arith.constant 32 : index
      %swap3A_35 = tpu.vector_load %arg16[%swap3A_33, %swap3A_34] {strides = array<i32>} : memref<32x128xf32, #tpu.memory_space<vmem>>, vector<16xf32>,
      tpu.vector_store %arg16[%swap3A_33, %swap3A_34], %broadcast_in_dim3A_32 {strides = array<i32>} : memref<32x128xf32, #tpu.memory_space<vmem>>, vector<16xf32>,
      %broadcast_in_dim3A_36 = arith.constant 0.000000e+00 : f32
      %broadcast_in_dim3A_37 = vector.broadcast %broadcast_in_dim3A_36 : f32 to vector<16xf32>
      %swap3A_38 = arith.index_cast %add3A_22 : i32 to index
      %swap3A_39 = arith.constant 48 : index
      %swap3A_40 = tpu.vector_load %arg16[%swap3A_38, %swap3A_39] {strides = array<i32>} : memref<32x128xf32, #tpu.memory_space<vmem>>, vector<16xf32>,
      tpu.vector_store %arg16[%swap3A_38, %swap3A_39], %broadcast_in_dim3A_37 {strides = array<i32>} : memref<32x128xf32, #tpu.memory_space<vmem>>, vector<16xf32>,
      %broadcast_in_dim3A_41 = arith.constant 0.000000e+00 : f32
      %broadcast_in_dim3A_42 = vector.broadcast %broadcast_in_dim3A_41 : f32 to vector<16xf32>
      %swap3A_43 = arith.index_cast %add3A_22 : i32 to index
      %swap3A_44 = arith.constant 64 : index
      %swap3A_45 = tpu.vector_load %arg16[%swap3A_43, %swap3A_44] {strides = array<i32>} : memref<32x128xf32, #tpu.memory_space<vmem>>, vector<16xf32>,
      tpu.vector_store %arg16[%swap3A_43, %swap3A_44], %broadcast_in_dim3A_42 {strides = array<i32>} : memref<32x128xf32, #tpu.memory_space<vmem>>, vector<16xf32>,
      %broadcast_in_dim3A_46 = arith.constant 0.000000e+00 : f32
      %broadcast_in_dim3A_47 = vector.broadcast %broadcast_in_dim3A_46 : f32 to vector<16xf32>
      %swap3A_48 = arith.index_cast %add3A_22 : i32 to index
      %swap3A_49 = arith.constant 80 : index
      %swap3A_50 = tpu.vector_load %arg16[%swap3A_48, %swap3A_49] {strides = array<i32>} : memref<32x128xf32, #tpu.memory_space<vmem>>, vector<16xf32>,
      tpu.vector_store %arg16[%swap3A_48, %swap3A_49], %broadcast_in_dim3A_47 {strides = array<i32>} : memref<32x128xf32, #tpu.memory_space<vmem>>, vector<16xf32>,
      %broadcast_in_dim3A_51 = arith.constant 0.000000e+00 : f32
      %broadcast_in_dim3A_52 = vector.broadcast %broadcast_in_dim3A_51 : f32 to vector<16xf32>
      %swap3A_53 = arith.index_cast %add3A_22 : i32 to index
      %swap3A_54 = arith.constant 96 : index
      %swap3A_55 = tpu.vector_load %arg16[%swap3A_53, %swap3A_54] {strides = array<i32>} : memref<32x128xf32, #tpu.memory_space<vmem>>, vector<16xf32>,
      tpu.vector_store %arg16[%swap3A_53, %swap3A_54], %broadcast_in_dim3A_52 {strides = array<i32>} : memref<32x128xf32, #tpu.memory_space<vmem>>, vector<16xf32>,
      %broadcast_in_dim3A_56 = arith.constant 0.000000e+00 : f32
      %broadcast_in_dim3A_57 = vector.broadcast %broadcast_in_dim3A_56 : f32 to vector<16xf32>
      %swap3A_58 = arith.index_cast %add3A_22 : i32 to index
      %swap3A_59 = arith.constant 112 : index
      %swap3A_60 = tpu.vector_load %arg16[%swap3A_58, %swap3A_59] {strides = array<i32>} : memref<32x128xf32, #tpu.memory_space<vmem>>, vector<16xf32>,
      tpu.vector_store %arg16[%swap3A_58, %swap3A_59], %broadcast_in_dim3A_57 {strides = array<i32>} : memref<32x128xf32, #tpu.memory_space<vmem>>, vector<16xf32>,
    }
    %scan3A_3 = arith.constant 32 : i32
    %scan3A_4 = arith.constant 0 : i32
    %scan3A_5 = arith.constant 20 : i32
    %scan3A_6 = arith.addi %scan3A_4, %scan3A_5 : i32
    %scan3A_7 = arith.constant 1 : i32
    scf.for %scan3A_20 = %scan3A_4 to %scan3A_6 step %scan3A_7  : i32 {
      %mul3A = arith.constant 1 : i32
      %mul3A_21 = arith.muli %scan3A_20, %mul3A : i32
      %add3A = arith.constant 0 : i32
      %add3A_22 = arith.addi %add3A, %mul3A_21 : i32
      %mul3A_23 = arith.constant 16 : i32
      %mul3A_24 = arith.muli %mul3A_23, %add3A_22 : i32
      %add3A_25 = arith.addi %arg1, %mul3A_24 : i32
      %lt3A = arith.constant 316 : i32
      %lt3A_26 = arith.cmpi slt, %add3A_25, %lt3A : i32
      %convert_element_type3A = arith.extui %lt3A_26 : i1 to i32
      %cond3A = arith.constant 0 : i32
      %cond3A_27 = arith.cmpi ne, %convert_element_type3A, %cond3A : i32
      scf.if %cond3A_27 {
        %mul3A_28 = arith.constant 32 : i32
        %mul3A_29 = arith.muli %add3A_25, %mul3A_28 : i32
        "tpu.region"() ({
          %run_scoped3A = tpu.sem_alloc : memref<!tpu.dma_semaphore, #tpu.memory_space<semaphore_mem>>
          %dma_start3A = tpu.memref_slice %arg6[%mul3A_29] : memref<10112xi32, #tpu.memory_space<hbm>> -> memref<32xi32, #tpu.memory_space<hbm>>
          %dma_start3A_30 = tpu.memref_slice %arg6[%mul3A_29] : memref<10112xi32, #tpu.memory_space<hbm>> -> memref<32xi32, #tpu.memory_space<hbm>>
          tpu.enqueue_dma source(%dma_start3A_30 : memref<32xi32, #tpu.memory_space<hbm>>) target(%arg17 : memref<32xi32, #tpu.memory_space<vmem>>) target_semaphore(%run_scoped3A : memref<!tpu.dma_semaphore, #tpu.memory_space<semaphore_mem>>)
          %dma_wait3A = tpu.memref_slice %arg6[%mul3A_29] : memref<10112xi32, #tpu.memory_space<hbm>> -> memref<32xi32, #tpu.memory_space<hbm>>
          %dma_wait3A_31 = tpu.memref_slice %arg6[%mul3A_29] : memref<10112xi32, #tpu.memory_space<hbm>> -> memref<32xi32, #tpu.memory_space<hbm>>
          tpu.wait_dma2 semaphore(%run_scoped3A : memref<!tpu.dma_semaphore, #tpu.memory_space<semaphore_mem>>) src(%dma_wait3A_31 : memref<32xi32, #tpu.memory_space<hbm>>) dst(%arg17 : memref<32xi32, #tpu.memory_space<vmem>>)
          tpu.yield
        }) : () -> ()
        "tpu.region"() ({
          %run_scoped3A = tpu.sem_alloc : memref<!tpu.dma_semaphore, #tpu.memory_space<semaphore_mem>>
          %dma_start3A = arith.constant 0 : i32
          %dma_start3A_30 = arith.constant 0 : i32
          %dma_start3A_31 = tpu.memref_slice %arg9[%dma_start3A, %dma_start3A_30] : memref<10112x128xf32, #tpu.memory_space<vmem_shared>> -> memref<10112x128xf32, #tpu.memory_space<vmem_shared>>
          tpu.enqueue_indirect_dma source(%arg16 : memref<32x128xf32, #tpu.memory_space<vmem>>) target(%dma_start3A_31 : memref<10112x128xf32, #tpu.memory_space<vmem_shared>>) offsets(%arg17 : memref<32xi32, #tpu.memory_space<vmem>>) semaphore(%run_scoped3A : memref<!tpu.dma_semaphore, #tpu.memory_space<semaphore_mem>>)
          %dma_wait3A = arith.constant 0 : i32
          %dma_wait3A_32 = arith.constant 0 : i32
          %dma_wait3A_33 = tpu.memref_slice %arg9[%dma_wait3A, %dma_wait3A_32] : memref<10112x128xf32, #tpu.memory_space<vmem_shared>> -> memref<10112x128xf32, #tpu.memory_space<vmem_shared>>
          tpu.wait_indirect_dma semaphore(%run_scoped3A : memref<!tpu.dma_semaphore, #tpu.memory_space<semaphore_mem>>) src(%arg16 : memref<32x128xf32, #tpu.memory_space<vmem>>) dst(%dma_wait3A_33 : memref<10112x128xf32, #tpu.memory_space<vmem_shared>>)
          tpu.yield
        }) : () -> ()
      } else {
      }
    }
    %scan3A_8 = arith.constant 20 : i32
    %barrier3A = arith.constant 0 : index
    tpu.barrier barrier_id(%barrier3A)
    %scan3A_9 = arith.constant 0 : i32
    %scan3A_10 = arith.constant 323 : i32
    %scan3A_11 = arith.addi %scan3A_9, %scan3A_10 : i32
    %scan3A_12 = arith.constant 1 : i32
    scf.for %scan3A_20 = %scan3A_9 to %scan3A_11 step %scan3A_12  : i32 {
      %mul3A = arith.constant 1 : i32
      %mul3A_21 = arith.muli %scan3A_20, %mul3A : i32
      %add3A = arith.constant 0 : i32
      %add3A_22 = arith.addi %add3A, %mul3A_21 : i32
      %mul3A_23 = arith.constant 20672 : i32
      %mul3A_24 = arith.muli %arg1, %mul3A_23 : i32
      %mul3A_25 = arith.constant 64 : i32
      %mul3A_26 = arith.muli %add3A_22, %mul3A_25 : i32
      %add3A_27 = arith.addi %mul3A_24, %mul3A_26 : i32
      "tpu.region"() ({
        %run_scoped3A = tpu.sem_alloc : memref<!tpu.dma_semaphore, #tpu.memory_space<semaphore_mem>>
        %dma_start3A = tpu.memref_slice %arg2[%add3A_27] : memref<330752xi32, #tpu.memory_space<hbm>> -> memref<64xi32, #tpu.memory_space<hbm>>
        %dma_start3A_40 = tpu.memref_slice %arg2[%add3A_27] : memref<330752xi32, #tpu.memory_space<hbm>> -> memref<64xi32, #tpu.memory_space<hbm>>
        tpu.enqueue_dma source(%dma_start3A_40 : memref<64xi32, #tpu.memory_space<hbm>>) target(%arg10 : memref<64xi32, #tpu.memory_space<vmem>>) target_semaphore(%run_scoped3A : memref<!tpu.dma_semaphore, #tpu.memory_space<semaphore_mem>>)
        %dma_wait3A = tpu.memref_slice %arg2[%add3A_27] : memref<330752xi32, #tpu.memory_space<hbm>> -> memref<64xi32, #tpu.memory_space<hbm>>
        %dma_wait3A_41 = tpu.memref_slice %arg2[%add3A_27] : memref<330752xi32, #tpu.memory_space<hbm>> -> memref<64xi32, #tpu.memory_space<hbm>>
        tpu.wait_dma2 semaphore(%run_scoped3A : memref<!tpu.dma_semaphore, #tpu.memory_space<semaphore_mem>>) src(%dma_wait3A_41 : memref<64xi32, #tpu.memory_space<hbm>>) dst(%arg10 : memref<64xi32, #tpu.memory_space<vmem>>)
        tpu.yield
      }) : () -> ()
      "tpu.region"() ({
        %run_scoped3A = tpu.sem_alloc : memref<!tpu.dma_semaphore, #tpu.memory_space<semaphore_mem>>
        %dma_start3A = tpu.memref_slice %arg3[%add3A_27] : memref<330752xi32, #tpu.memory_space<hbm>> -> memref<64xi32, #tpu.memory_space<hbm>>
        %dma_start3A_40 = tpu.memref_slice %arg3[%add3A_27] : memref<330752xi32, #tpu.memory_space<hbm>> -> memref<64xi32, #tpu.memory_space<hbm>>
        tpu.enqueue_dma source(%dma_start3A_40 : memref<64xi32, #tpu.memory_space<hbm>>) target(%arg11 : memref<64xi32, #tpu.memory_space<vmem>>) target_semaphore(%run_scoped3A : memref<!tpu.dma_semaphore, #tpu.memory_space<semaphore_mem>>)
        %dma_wait3A = tpu.memref_slice %arg3[%add3A_27] : memref<330752xi32, #tpu.memory_space<hbm>> -> memref<64xi32, #tpu.memory_space<hbm>>
        %dma_wait3A_41 = tpu.memref_slice %arg3[%add3A_27] : memref<330752xi32, #tpu.memory_space<hbm>> -> memref<64xi32, #tpu.memory_space<hbm>>
        tpu.wait_dma2 semaphore(%run_scoped3A : memref<!tpu.dma_semaphore, #tpu.memory_space<semaphore_mem>>) src(%dma_wait3A_41 : memref<64xi32, #tpu.memory_space<hbm>>) dst(%arg11 : memref<64xi32, #tpu.memory_space<vmem>>)
        tpu.yield
      }) : () -> ()
      "tpu.region"() ({
        %run_scoped3A = tpu.sem_alloc : memref<!tpu.dma_semaphore, #tpu.memory_space<semaphore_mem>>
        %dma_start3A = arith.constant 0 : i32
        %dma_start3A_40 = arith.constant 0 : i32
        %dma_start3A_41 = tpu.memref_slice %arg4[%dma_start3A, %dma_start3A_40] : memref<10112x128xf32, #tpu.memory_space<hbm>> -> memref<10112x128xf32, #tpu.memory_space<hbm>>
        tpu.enqueue_indirect_dma source(%dma_start3A_41 : memref<10112x128xf32, #tpu.memory_space<hbm>>) target(%arg12 : memref<64x128xf32, #tpu.memory_space<vmem>>) offsets(%arg10 : memref<64xi32, #tpu.memory_space<vmem>>) semaphore(%run_scoped3A : memref<!tpu.dma_semaphore, #tpu.memory_space<semaphore_mem>>)
        %dma_wait3A = arith.constant 0 : i32
        %dma_wait3A_42 = arith.constant 0 : i32
        %dma_wait3A_43 = tpu.memref_slice %arg4[%dma_wait3A, %dma_wait3A_42] : memref<10112x128xf32, #tpu.memory_space<hbm>> -> memref<10112x128xf32, #tpu.memory_space<hbm>>
        tpu.wait_indirect_dma semaphore(%run_scoped3A : memref<!tpu.dma_semaphore, #tpu.memory_space<semaphore_mem>>) src(%dma_wait3A_43 : memref<10112x128xf32, #tpu.memory_space<hbm>>) dst(%arg12 : memref<64x128xf32, #tpu.memory_space<vmem>>)
        tpu.yield
      }) : () -> ()
      "tpu.region"() ({
        %run_scoped3A = tpu.sem_alloc : memref<!tpu.dma_semaphore, #tpu.memory_space<semaphore_mem>>
        %dma_start3A = arith.constant 0 : i32
        %dma_start3A_40 = arith.constant 0 : i32
        %dma_start3A_41 = tpu.memref_slice %arg4[%dma_start3A, %dma_start3A_40] : memref<10112x128xf32, #tpu.memory_space<hbm>> -> memref<10112x128xf32, #tpu.memory_space<hbm>>
        tpu.enqueue_indirect_dma source(%dma_start3A_41 : memref<10112x128xf32, #tpu.memory_space<hbm>>) target(%arg13 : memref<64x128xf32, #tpu.memory_space<vmem>>) offsets(%arg11 : memref<64xi32, #tpu.memory_space<vmem>>) semaphore(%run_scoped3A : memref<!tpu.dma_semaphore, #tpu.memory_space<semaphore_mem>>)
        %dma_wait3A = arith.constant 0 : i32
        %dma_wait3A_42 = arith.constant 0 : i32
        %dma_wait3A_43 = tpu.memref_slice %arg4[%dma_wait3A, %dma_wait3A_42] : memref<10112x128xf32, #tpu.memory_space<hbm>> -> memref<10112x128xf32, #tpu.memory_space<hbm>>
        tpu.wait_indirect_dma semaphore(%run_scoped3A : memref<!tpu.dma_semaphore, #tpu.memory_space<semaphore_mem>>) src(%dma_wait3A_43 : memref<10112x128xf32, #tpu.memory_space<hbm>>) dst(%arg13 : memref<64x128xf32, #tpu.memory_space<vmem>>)
        tpu.yield
      }) : () -> ()
      %scan3A_28 = arith.constant 0 : i32
      %scan3A_29 = arith.constant 4 : i32
      %scan3A_30 = arith.addi %scan3A_28, %scan3A_29 : i32
      %scan3A_31 = arith.constant 1 : i32
      scf.for %scan3A_40 = %scan3A_28 to %scan3A_30 step %scan3A_31  : i32 {
        %mul3A_41 = arith.constant 1 : i32
        %mul3A_42 = arith.muli %scan3A_40, %mul3A_41 : i32
        %add3A_43 = arith.constant 0 : i32
        %add3A_44 = arith.addi %add3A_43, %mul3A_42 : i32
        %mul3A_45 = arith.constant 16 : i32
        %mul3A_46 = arith.muli %add3A_44, %mul3A_45 : i32
        %get3A = arith.index_cast %mul3A_46 : i32 to index
        %get3A_47 = tpu.vector_load %arg10[%get3A] {strides = array<i32>} : memref<64xi32, #tpu.memory_space<vmem>>, vector<16xi32>,
        %mul3A_48 = arith.constant 10112 : i32
        %mul3A_49 = arith.muli %arg0, %mul3A_48 : i32
        %add3A_50 = vector.broadcast %mul3A_49 : i32 to vector<16xi32>
        %add3A_51 = arith.addi %get3A_47, %add3A_50 : vector<16xi32>
        %mul3A_52 = arith.constant 16 : i32
        %mul3A_53 = arith.muli %add3A_44, %mul3A_52 : i32
        %swap3A = arith.index_cast %mul3A_53 : i32 to index
        %swap3A_54 = tpu.vector_load %arg10[%swap3A] {strides = array<i32>} : memref<64xi32, #tpu.memory_space<vmem>>, vector<16xi32>,
        tpu.vector_store %arg10[%swap3A], %add3A_51 {strides = array<i32>} : memref<64xi32, #tpu.memory_space<vmem>>, vector<16xi32>,
      }
      %scan3A_32 = arith.constant 4 : i32
      "tpu.region"() ({
        %run_scoped3A = tpu.sem_alloc : memref<!tpu.dma_semaphore, #tpu.memory_space<semaphore_mem>>
        %dma_start3A = arith.constant 0 : i32
        %dma_start3A_40 = arith.constant 0 : i32
        %dma_start3A_41 = tpu.memref_slice %arg5[%dma_start3A, %dma_start3A_40] : memref<20224x128xf32, #tpu.memory_space<hbm>> -> memref<20224x128xf32, #tpu.memory_space<hbm>>
        tpu.enqueue_indirect_dma source(%dma_start3A_41 : memref<20224x128xf32, #tpu.memory_space<hbm>>) target(%arg15 : memref<64x128xf32, #tpu.memory_space<vmem>>) offsets(%arg10 : memref<64xi32, #tpu.memory_space<vmem>>) semaphore(%run_scoped3A : memref<!tpu.dma_semaphore, #tpu.memory_space<semaphore_mem>>)
        %dma_wait3A = arith.constant 0 : i32
        %dma_wait3A_42 = arith.constant 0 : i32
        %dma_wait3A_43 = tpu.memref_slice %arg5[%dma_wait3A, %dma_wait3A_42] : memref<20224x128xf32, #tpu.memory_space<hbm>> -> memref<20224x128xf32, #tpu.memory_space<hbm>>
        tpu.wait_indirect_dma semaphore(%run_scoped3A : memref<!tpu.dma_semaphore, #tpu.memory_space<semaphore_mem>>) src(%dma_wait3A_43 : memref<20224x128xf32, #tpu.memory_space<hbm>>) dst(%arg15 : memref<64x128xf32, #tpu.memory_space<vmem>>)
        tpu.yield
      }) : () -> ()
      %scan3A_33 = arith.constant 0 : i32
      %scan3A_34 = arith.constant 64 : i32
      %scan3A_35 = arith.addi %scan3A_33, %scan3A_34 : i32
      %scan3A_36 = arith.constant 1 : i32
      scf.for %scan3A_40 = %scan3A_33 to %scan3A_35 step %scan3A_36  : i32 {
        %mul3A_41 = arith.constant 1 : i32
        %mul3A_42 = arith.muli %scan3A_40, %mul3A_41 : i32
        %add3A_43 = arith.constant 0 : i32
        %add3A_44 = arith.addi %add3A_43, %mul3A_42 : i32
        %get3A = arith.index_cast %add3A_44 : i32 to index
        %get3A_45 = arith.constant 0 : index
        %get3A_46 = tpu.vector_load %arg12[%get3A, %get3A_45] {strides = array<i32>} : memref<64x128xf32, #tpu.memory_space<vmem>>, vector<16xf32>,
        %get3A_47 = arith.index_cast %add3A_44 : i32 to index
        %get3A_48 = arith.constant 16 : index
        %get3A_49 = tpu.vector_load %arg13[%get3A_47, %get3A_48] {strides = array<i32>} : memref<64x128xf32, #tpu.memory_space<vmem>>, vector<16xf32>,
        %add3A_50 = arith.addf %get3A_46, %get3A_49 : vector<16xf32>
        %mul3A_51 = arith.constant 2.000000e-01 : f32
        %mul3A_52 = vector.broadcast %mul3A_51 : f32 to vector<16xf32>
        %mul3A_53 = arith.mulf %mul3A_52, %add3A_50 : vector<16xf32>
        %max3A = arith.maximumf %add3A_50, %mul3A_53 : vector<16xf32>
        %exp3A = math.exp %max3A : vector<16xf32>
        %swap3A = arith.index_cast %add3A_44 : i32 to index
        %swap3A_54 = arith.constant 0 : index
        %swap3A_55 = tpu.vector_load %arg14[%swap3A, %swap3A_54] {strides = array<i32>} : memref<64x16xf32, #tpu.memory_space<vmem>>, vector<16xf32>,
        tpu.vector_store %arg14[%swap3A, %swap3A_54], %exp3A {strides = array<i32>} : memref<64x16xf32, #tpu.memory_space<vmem>>, vector<16xf32>,
        %broadcast_in_dim3A = vector.broadcast %add3A_44 : i32 to vector<16xi32>
        %mul3A_56 = arith.constant 4 : i32
        %mul3A_57 = arith.muli %mul3A_56, %arg0 : i32
        %add3A_58 = arith.constant 0 : i32
        %add3A_59 = arith.addi %mul3A_57, %add3A_58 : i32
        %broadcast_in_dim3A_60 = vector.broadcast %add3A_59 : i32 to vector<16xi32>
        %gather3A = tpu.vector_load_idx %arg14[%broadcast_in_dim3A, %broadcast_in_dim3A_60] : memref<64x16xf32, #tpu.memory_space<vmem>>[vector<16xi32>, vector<16xi32>], vector<16xf32>,
        %get3A_61 = arith.index_cast %add3A_44 : i32 to index
        %get3A_62 = arith.constant 0 : index
        %get3A_63 = tpu.vector_load %arg15[%get3A_61, %get3A_62] {strides = array<i32>} : memref<64x128xf32, #tpu.memory_space<vmem>>, vector<16xf32>,
        %mul3A_64 = arith.mulf %get3A_63, %gather3A : vector<16xf32>
        %swap3A_65 = arith.index_cast %add3A_44 : i32 to index
        %swap3A_66 = arith.constant 0 : index
        %swap3A_67 = tpu.vector_load %arg15[%swap3A_65, %swap3A_66] {strides = array<i32>} : memref<64x128xf32, #tpu.memory_space<vmem>>, vector<16xf32>,
        tpu.vector_store %arg15[%swap3A_65, %swap3A_66], %mul3A_64 {strides = array<i32>} : memref<64x128xf32, #tpu.memory_space<vmem>>, vector<16xf32>,
        %get3A_68 = arith.index_cast %add3A_44 : i32 to index
        %get3A_69 = arith.constant 16 : index
        %get3A_70 = tpu.vector_load %arg15[%get3A_68, %get3A_69] {strides = array<i32>} : memref<64x128xf32, #tpu.memory_space<vmem>>, vector<16xf32>,
        %mul3A_71 = arith.mulf %get3A_70, %gather3A : vector<16xf32>
        %swap3A_72 = arith.index_cast %add3A_44 : i32 to index
        %swap3A_73 = arith.constant 16 : index
        %swap3A_74 = tpu.vector_load %arg15[%swap3A_72, %swap3A_73] {strides = array<i32>} : memref<64x128xf32, #tpu.memory_space<vmem>>, vector<16xf32>,
        tpu.vector_store %arg15[%swap3A_72, %swap3A_73], %mul3A_71 {strides = array<i32>} : memref<64x128xf32, #tpu.memory_space<vmem>>, vector<16xf32>,
        %mul3A_75 = arith.constant 4 : i32
        %mul3A_76 = arith.muli %mul3A_75, %arg0 : i32
        %add3A_77 = arith.constant 1 : i32
        %add3A_78 = arith.addi %mul3A_76, %add3A_77 : i32
        %broadcast_in_dim3A_79 = vector.broadcast %add3A_78 : i32 to vector<16xi32>
        %gather3A_80 = tpu.vector_load_idx %arg14[%broadcast_in_dim3A, %broadcast_in_dim3A_79] : memref<64x16xf32, #tpu.memory_space<vmem>>[vector<16xi32>, vector<16xi32>], vector<16xf32>,
        %get3A_81 = arith.index_cast %add3A_44 : i32 to index
        %get3A_82 = arith.constant 32 : index
        %get3A_83 = tpu.vector_load %arg15[%get3A_81, %get3A_82] {strides = array<i32>} : memref<64x128xf32, #tpu.memory_space<vmem>>, vector<16xf32>,
        %mul3A_84 = arith.mulf %get3A_83, %gather3A_80 : vector<16xf32>
        %swap3A_85 = arith.index_cast %add3A_44 : i32 to index
        %swap3A_86 = arith.constant 32 : index
        %swap3A_87 = tpu.vector_load %arg15[%swap3A_85, %swap3A_86] {strides = array<i32>} : memref<64x128xf32, #tpu.memory_space<vmem>>, vector<16xf32>,
        tpu.vector_store %arg15[%swap3A_85, %swap3A_86], %mul3A_84 {strides = array<i32>} : memref<64x128xf32, #tpu.memory_space<vmem>>, vector<16xf32>,
        %get3A_88 = arith.index_cast %add3A_44 : i32 to index
        %get3A_89 = arith.constant 48 : index
        %get3A_90 = tpu.vector_load %arg15[%get3A_88, %get3A_89] {strides = array<i32>} : memref<64x128xf32, #tpu.memory_space<vmem>>, vector<16xf32>,
        %mul3A_91 = arith.mulf %get3A_90, %gather3A_80 : vector<16xf32>
        %swap3A_92 = arith.index_cast %add3A_44 : i32 to index
        %swap3A_93 = arith.constant 48 : index
        %swap3A_94 = tpu.vector_load %arg15[%swap3A_92, %swap3A_93] {strides = array<i32>} : memref<64x128xf32, #tpu.memory_space<vmem>>, vector<16xf32>,
        tpu.vector_store %arg15[%swap3A_92, %swap3A_93], %mul3A_91 {strides = array<i32>} : memref<64x128xf32, #tpu.memory_space<vmem>>, vector<16xf32>,
        %mul3A_95 = arith.constant 4 : i32
        %mul3A_96 = arith.muli %mul3A_95, %arg0 : i32
        %add3A_97 = arith.constant 2 : i32
        %add3A_98 = arith.addi %mul3A_96, %add3A_97 : i32
        %broadcast_in_dim3A_99 = vector.broadcast %add3A_98 : i32 to vector<16xi32>
        %gather3A_100 = tpu.vector_load_idx %arg14[%broadcast_in_dim3A, %broadcast_in_dim3A_99] : memref<64x16xf32, #tpu.memory_space<vmem>>[vector<16xi32>, vector<16xi32>], vector<16xf32>,
        %get3A_101 = arith.index_cast %add3A_44 : i32 to index
        %get3A_102 = arith.constant 64 : index
        %get3A_103 = tpu.vector_load %arg15[%get3A_101, %get3A_102] {strides = array<i32>} : memref<64x128xf32, #tpu.memory_space<vmem>>, vector<16xf32>,
        %mul3A_104 = arith.mulf %get3A_103, %gather3A_100 : vector<16xf32>
        %swap3A_105 = arith.index_cast %add3A_44 : i32 to index
        %swap3A_106 = arith.constant 64 : index
        %swap3A_107 = tpu.vector_load %arg15[%swap3A_105, %swap3A_106] {strides = array<i32>} : memref<64x128xf32, #tpu.memory_space<vmem>>, vector<16xf32>,
        tpu.vector_store %arg15[%swap3A_105, %swap3A_106], %mul3A_104 {strides = array<i32>} : memref<64x128xf32, #tpu.memory_space<vmem>>, vector<16xf32>,
        %get3A_108 = arith.index_cast %add3A_44 : i32 to index
        %get3A_109 = arith.constant 80 : index
        %get3A_110 = tpu.vector_load %arg15[%get3A_108, %get3A_109] {strides = array<i32>} : memref<64x128xf32, #tpu.memory_space<vmem>>, vector<16xf32>,
        %mul3A_111 = arith.mulf %get3A_110, %gather3A_100 : vector<16xf32>
        %swap3A_112 = arith.index_cast %add3A_44 : i32 to index
        %swap3A_113 = arith.constant 80 : index
        %swap3A_114 = tpu.vector_load %arg15[%swap3A_112, %swap3A_113] {strides = array<i32>} : memref<64x128xf32, #tpu.memory_space<vmem>>, vector<16xf32>,
        tpu.vector_store %arg15[%swap3A_112, %swap3A_113], %mul3A_111 {strides = array<i32>} : memref<64x128xf32, #tpu.memory_space<vmem>>, vector<16xf32>,
        %mul3A_115 = arith.constant 4 : i32
        %mul3A_116 = arith.muli %mul3A_115, %arg0 : i32
        %add3A_117 = arith.constant 3 : i32
        %add3A_118 = arith.addi %mul3A_116, %add3A_117 : i32
        %broadcast_in_dim3A_119 = vector.broadcast %add3A_118 : i32 to vector<16xi32>
        %gather3A_120 = tpu.vector_load_idx %arg14[%broadcast_in_dim3A, %broadcast_in_dim3A_119] : memref<64x16xf32, #tpu.memory_space<vmem>>[vector<16xi32>, vector<16xi32>], vector<16xf32>,
        %get3A_121 = arith.index_cast %add3A_44 : i32 to index
        %get3A_122 = arith.constant 96 : index
        %get3A_123 = tpu.vector_load %arg15[%get3A_121, %get3A_122] {strides = array<i32>} : memref<64x128xf32, #tpu.memory_space<vmem>>, vector<16xf32>,
        %mul3A_124 = arith.mulf %get3A_123, %gather3A_120 : vector<16xf32>
        %swap3A_125 = arith.index_cast %add3A_44 : i32 to index
        %swap3A_126 = arith.constant 96 : index
        %swap3A_127 = tpu.vector_load %arg15[%swap3A_125, %swap3A_126] {strides = array<i32>} : memref<64x128xf32, #tpu.memory_space<vmem>>, vector<16xf32>,
        tpu.vector_store %arg15[%swap3A_125, %swap3A_126], %mul3A_124 {strides = array<i32>} : memref<64x128xf32, #tpu.memory_space<vmem>>, vector<16xf32>,
        %get3A_128 = arith.index_cast %add3A_44 : i32 to index
        %get3A_129 = arith.constant 112 : index
        %get3A_130 = tpu.vector_load %arg15[%get3A_128, %get3A_129] {strides = array<i32>} : memref<64x128xf32, #tpu.memory_space<vmem>>, vector<16xf32>,
        %mul3A_131 = arith.mulf %get3A_130, %gather3A_120 : vector<16xf32>
        %swap3A_132 = arith.index_cast %add3A_44 : i32 to index
        %swap3A_133 = arith.constant 112 : index
        %swap3A_134 = tpu.vector_load %arg15[%swap3A_132, %swap3A_133] {strides = array<i32>} : memref<64x128xf32, #tpu.memory_space<vmem>>, vector<16xf32>,
        tpu.vector_store %arg15[%swap3A_132, %swap3A_133], %mul3A_131 {strides = array<i32>} : memref<64x128xf32, #tpu.memory_space<vmem>>, vector<16xf32>,
      }
      %scan3A_37 = arith.constant 64 : i32
      "tpu.region"() ({
        %run_scoped3A = tpu.sem_alloc : memref<!tpu.dma_semaphore, #tpu.memory_space<semaphore_mem>>
        %dma_start3A = arith.constant 0 : i32
        %dma_start3A_40 = arith.constant 0 : i32
        %dma_start3A_41 = tpu.memref_slice %arg9[%dma_start3A, %dma_start3A_40] : memref<10112x128xf32, #tpu.memory_space<vmem_shared>> -> memref<10112x128xf32, #tpu.memory_space<vmem_shared>>
        tpu.enqueue_indirect_dma source(%arg15 : memref<64x128xf32, #tpu.memory_space<vmem>>) target(%dma_start3A_41 : memref<10112x128xf32, #tpu.memory_space<vmem_shared>>) offsets(%arg11 : memref<64xi32, #tpu.memory_space<vmem>>) semaphore(%run_scoped3A : memref<!tpu.dma_semaphore, #tpu.memory_space<semaphore_mem>>) {add = true}
        %dma_wait3A = arith.constant 0 : i32
        %dma_wait3A_42 = arith.constant 0 : i32
        %dma_wait3A_43 = tpu.memref_slice %arg9[%dma_wait3A, %dma_wait3A_42] : memref<10112x128xf32, #tpu.memory_space<vmem_shared>> -> memref<10112x128xf32, #tpu.memory_space<vmem_shared>>
        tpu.wait_indirect_dma semaphore(%run_scoped3A : memref<!tpu.dma_semaphore, #tpu.memory_space<semaphore_mem>>) src(%arg15 : memref<64x128xf32, #tpu.memory_space<vmem>>) dst(%dma_wait3A_43 : memref<10112x128xf32, #tpu.memory_space<vmem_shared>>)
        tpu.yield
      }) : () -> ()
      %eq3A = arith.constant 0 : i32
      %eq3A_38 = arith.cmpi eq, %arg0, %eq3A : i32
      %convert_element_type3A = arith.extui %eq3A_38 : i1 to i32
      %cond3A = arith.constant 0 : i32
      %cond3A_39 = arith.cmpi ne, %convert_element_type3A, %cond3A : i32
      scf.if %cond3A_39 {
        "tpu.region"() ({
          %run_scoped3A = tpu.sem_alloc : memref<!tpu.dma_semaphore, #tpu.memory_space<semaphore_mem>>
          %dma_start3A = arith.constant 0 : i32
          %dma_start3A_40 = tpu.memref_slice %arg8[%add3A_27, %dma_start3A] : memref<330752x16xf32, #tpu.memory_space<hbm>> -> memref<64x16xf32, #tpu.memory_space<hbm>>
          %dma_start3A_41 = arith.constant 0 : i32
          %dma_start3A_42 = tpu.memref_slice %arg8[%add3A_27, %dma_start3A_41] : memref<330752x16xf32, #tpu.memory_space<hbm>> -> memref<64x16xf32, #tpu.memory_space<hbm>>
          tpu.enqueue_dma source(%arg14 : memref<64x16xf32, #tpu.memory_space<vmem>>) target(%dma_start3A_42 : memref<64x16xf32, #tpu.memory_space<hbm>>) target_semaphore(%run_scoped3A : memref<!tpu.dma_semaphore, #tpu.memory_space<semaphore_mem>>)
          %dma_wait3A = arith.constant 0 : i32
          %dma_wait3A_43 = tpu.memref_slice %arg8[%add3A_27, %dma_wait3A] : memref<330752x16xf32, #tpu.memory_space<hbm>> -> memref<64x16xf32, #tpu.memory_space<hbm>>
          %dma_wait3A_44 = arith.constant 0 : i32
          %dma_wait3A_45 = tpu.memref_slice %arg8[%add3A_27, %dma_wait3A_44] : memref<330752x16xf32, #tpu.memory_space<hbm>> -> memref<64x16xf32, #tpu.memory_space<hbm>>
          tpu.wait_dma2 semaphore(%run_scoped3A : memref<!tpu.dma_semaphore, #tpu.memory_space<semaphore_mem>>) src(%arg14 : memref<64x16xf32, #tpu.memory_space<vmem>>) dst(%dma_wait3A_45 : memref<64x16xf32, #tpu.memory_space<hbm>>)
          tpu.yield
        }) : () -> ()
      } else {
      }
    }
    %scan3A_13 = arith.constant 323 : i32
    %barrier3A_14 = arith.constant 0 : index
    tpu.barrier barrier_id(%barrier3A_14)
    %scan3A_15 = arith.constant 0 : i32
    %scan3A_16 = arith.constant 20 : i32
    %scan3A_17 = arith.addi %scan3A_15, %scan3A_16 : i32
    %scan3A_18 = arith.constant 1 : i32
    scf.for %scan3A_20 = %scan3A_15 to %scan3A_17 step %scan3A_18  : i32 {
      %mul3A = arith.constant 1 : i32
      %mul3A_21 = arith.muli %scan3A_20, %mul3A : i32
      %add3A = arith.constant 0 : i32
      %add3A_22 = arith.addi %add3A, %mul3A_21 : i32
      %mul3A_23 = arith.constant 16 : i32
      %mul3A_24 = arith.muli %mul3A_23, %add3A_22 : i32
      %add3A_25 = arith.addi %arg1, %mul3A_24 : i32
      %lt3A = arith.constant 316 : i32
      %lt3A_26 = arith.cmpi slt, %add3A_25, %lt3A : i32
      %convert_element_type3A = arith.extui %lt3A_26 : i1 to i32
      %cond3A = arith.constant 0 : i32
      %cond3A_27 = arith.cmpi ne, %convert_element_type3A, %cond3A : i32
      scf.if %cond3A_27 {
        %mul3A_28 = arith.constant 32 : i32
        %mul3A_29 = arith.muli %add3A_25, %mul3A_28 : i32
        "tpu.region"() ({
          %run_scoped3A = tpu.sem_alloc : memref<!tpu.dma_semaphore, #tpu.memory_space<semaphore_mem>>
          %dma_start3A = tpu.memref_slice %arg6[%mul3A_29] : memref<10112xi32, #tpu.memory_space<hbm>> -> memref<32xi32, #tpu.memory_space<hbm>>
          %dma_start3A_35 = tpu.memref_slice %arg6[%mul3A_29] : memref<10112xi32, #tpu.memory_space<hbm>> -> memref<32xi32, #tpu.memory_space<hbm>>
          tpu.enqueue_dma source(%dma_start3A_35 : memref<32xi32, #tpu.memory_space<hbm>>) target(%arg17 : memref<32xi32, #tpu.memory_space<vmem>>) target_semaphore(%run_scoped3A : memref<!tpu.dma_semaphore, #tpu.memory_space<semaphore_mem>>)
          %dma_wait3A = tpu.memref_slice %arg6[%mul3A_29] : memref<10112xi32, #tpu.memory_space<hbm>> -> memref<32xi32, #tpu.memory_space<hbm>>
          %dma_wait3A_36 = tpu.memref_slice %arg6[%mul3A_29] : memref<10112xi32, #tpu.memory_space<hbm>> -> memref<32xi32, #tpu.memory_space<hbm>>
          tpu.wait_dma2 semaphore(%run_scoped3A : memref<!tpu.dma_semaphore, #tpu.memory_space<semaphore_mem>>) src(%dma_wait3A_36 : memref<32xi32, #tpu.memory_space<hbm>>) dst(%arg17 : memref<32xi32, #tpu.memory_space<vmem>>)
          tpu.yield
        }) : () -> ()
        "tpu.region"() ({
          %run_scoped3A = tpu.sem_alloc : memref<!tpu.dma_semaphore, #tpu.memory_space<semaphore_mem>>
          %dma_start3A = arith.constant 0 : i32
          %dma_start3A_35 = arith.constant 0 : i32
          %dma_start3A_36 = tpu.memref_slice %arg9[%dma_start3A, %dma_start3A_35] : memref<10112x128xf32, #tpu.memory_space<vmem_shared>> -> memref<10112x128xf32, #tpu.memory_space<vmem_shared>>
          tpu.enqueue_indirect_dma source(%dma_start3A_36 : memref<10112x128xf32, #tpu.memory_space<vmem_shared>>) target(%arg16 : memref<32x128xf32, #tpu.memory_space<vmem>>) offsets(%arg17 : memref<32xi32, #tpu.memory_space<vmem>>) semaphore(%run_scoped3A : memref<!tpu.dma_semaphore, #tpu.memory_space<semaphore_mem>>)
          %dma_wait3A = arith.constant 0 : i32
          %dma_wait3A_37 = arith.constant 0 : i32
          %dma_wait3A_38 = tpu.memref_slice %arg9[%dma_wait3A, %dma_wait3A_37] : memref<10112x128xf32, #tpu.memory_space<vmem_shared>> -> memref<10112x128xf32, #tpu.memory_space<vmem_shared>>
          tpu.wait_indirect_dma semaphore(%run_scoped3A : memref<!tpu.dma_semaphore, #tpu.memory_space<semaphore_mem>>) src(%dma_wait3A_38 : memref<10112x128xf32, #tpu.memory_space<vmem_shared>>) dst(%arg16 : memref<32x128xf32, #tpu.memory_space<vmem>>)
          tpu.yield
        }) : () -> ()
        %mul3A_30 = arith.constant 10112 : i32
        %mul3A_31 = arith.muli %arg0, %mul3A_30 : i32
        %mul3A_32 = arith.constant 32 : i32
        %mul3A_33 = arith.muli %add3A_25, %mul3A_32 : i32
        %add3A_34 = arith.addi %mul3A_31, %mul3A_33 : i32
        "tpu.region"() ({
          %run_scoped3A = tpu.sem_alloc : memref<!tpu.dma_semaphore, #tpu.memory_space<semaphore_mem>>
          %dma_start3A = arith.constant 0 : i32
          %dma_start3A_35 = tpu.memref_slice %arg7[%add3A_34, %dma_start3A] : memref<20224x128xf32, #tpu.memory_space<hbm>> -> memref<32x128xf32, #tpu.memory_space<hbm>>
          %dma_start3A_36 = arith.constant 0 : i32
          %dma_start3A_37 = tpu.memref_slice %arg7[%add3A_34, %dma_start3A_36] : memref<20224x128xf32, #tpu.memory_space<hbm>> -> memref<32x128xf32, #tpu.memory_space<hbm>>
          tpu.enqueue_dma source(%arg16 : memref<32x128xf32, #tpu.memory_space<vmem>>) target(%dma_start3A_37 : memref<32x128xf32, #tpu.memory_space<hbm>>) target_semaphore(%run_scoped3A : memref<!tpu.dma_semaphore, #tpu.memory_space<semaphore_mem>>)
          %dma_wait3A = arith.constant 0 : i32
          %dma_wait3A_38 = tpu.memref_slice %arg7[%add3A_34, %dma_wait3A] : memref<20224x128xf32, #tpu.memory_space<hbm>> -> memref<32x128xf32, #tpu.memory_space<hbm>>
          %dma_wait3A_39 = arith.constant 0 : i32
          %dma_wait3A_40 = tpu.memref_slice %arg7[%add3A_34, %dma_wait3A_39] : memref<20224x128xf32, #tpu.memory_space<hbm>> -> memref<32x128xf32, #tpu.memory_space<hbm>>
          tpu.wait_dma2 semaphore(%run_scoped3A : memref<!tpu.dma_semaphore, #tpu.memory_space<semaphore_mem>>) src(%arg16 : memref<32x128xf32, #tpu.memory_space<vmem>>) dst(%dma_wait3A_40 : memref<32x128xf32, #tpu.memory_space<hbm>>)
          tpu.yield
        }) : () -> ()
      } else {
      }
    }
    %scan3A_19 = arith.constant 20 : i32
    return
  }
}

#map = affine_map<(d0, d1) -> (0)>
#map1 = affine_map<(d0, d1) -> (0, 0)>
module attributes {stable_mosaic.version = 14 : i64} {
  func.func @_s2_body(%arg0: i32, %arg1: i32, %arg2: memref<330752xi32, #tpu.memory_space<hbm>>, %arg3: memref<330752x16xf32, #tpu.memory_space<hbm>>, %arg4: memref<10112xi32, #tpu.memory_space<hbm>>, %arg5: memref<20224x128xf32, #tpu.memory_space<hbm>>, %arg6: memref<10112x128xf32, #tpu.memory_space<vmem_shared>>, %arg7: memref<64xi32, #tpu.memory_space<vmem>>, %arg8: memref<64x16xf32, #tpu.memory_space<vmem>>, %arg9: memref<64x128xf32, #tpu.memory_space<vmem>>, %arg10: memref<32x128xf32, #tpu.memory_space<vmem>>, %arg11: memref<32xi32, #tpu.memory_space<vmem>>) attributes {dimension_semantics = [#tpu.dimension_semantics<core_parallel>, #tpu.dimension_semantics<subcore_parallel>], iteration_bounds = array<i64: 2, 16>, scalar_prefetch = 0 : i64, scratch_operands = 6 : i64, tpu.core_type = #tpu.core_type<sc_vector_subcore>, window_params = [{transform_indices = #map}, {transform_indices = #map1}, {transform_indices = #map}, {transform_indices = #map1}]} {
    %scan3A = arith.constant 0 : i32
    %scan3A_0 = arith.constant 32 : i32
    %scan3A_1 = arith.addi %scan3A, %scan3A_0 : i32
    %scan3A_2 = arith.constant 1 : i32
    scf.for %scan3A_25 = %scan3A to %scan3A_1 step %scan3A_2  : i32 {
      %mul3A = arith.constant 1 : i32
      %mul3A_26 = arith.muli %scan3A_25, %mul3A : i32
      %add3A = arith.constant 0 : i32
      %add3A_27 = arith.addi %add3A, %mul3A_26 : i32
      %broadcast_in_dim3A = arith.constant 0.000000e+00 : f32
      %broadcast_in_dim3A_28 = vector.broadcast %broadcast_in_dim3A : f32 to vector<16xf32>
      %swap3A = arith.index_cast %add3A_27 : i32 to index
      %swap3A_29 = arith.constant 0 : index
      %swap3A_30 = tpu.vector_load %arg10[%swap3A, %swap3A_29] {strides = array<i32>} : memref<32x128xf32, #tpu.memory_space<vmem>>, vector<16xf32>,
      tpu.vector_store %arg10[%swap3A, %swap3A_29], %broadcast_in_dim3A_28 {strides = array<i32>} : memref<32x128xf32, #tpu.memory_space<vmem>>, vector<16xf32>,
      %broadcast_in_dim3A_31 = arith.constant 0.000000e+00 : f32
      %broadcast_in_dim3A_32 = vector.broadcast %broadcast_in_dim3A_31 : f32 to vector<16xf32>
      %swap3A_33 = arith.index_cast %add3A_27 : i32 to index
      %swap3A_34 = arith.constant 16 : index
      %swap3A_35 = tpu.vector_load %arg10[%swap3A_33, %swap3A_34] {strides = array<i32>} : memref<32x128xf32, #tpu.memory_space<vmem>>, vector<16xf32>,
      tpu.vector_store %arg10[%swap3A_33, %swap3A_34], %broadcast_in_dim3A_32 {strides = array<i32>} : memref<32x128xf32, #tpu.memory_space<vmem>>, vector<16xf32>,
      %broadcast_in_dim3A_36 = arith.constant 0.000000e+00 : f32
      %broadcast_in_dim3A_37 = vector.broadcast %broadcast_in_dim3A_36 : f32 to vector<16xf32>
      %swap3A_38 = arith.index_cast %add3A_27 : i32 to index
      %swap3A_39 = arith.constant 32 : index
      %swap3A_40 = tpu.vector_load %arg10[%swap3A_38, %swap3A_39] {strides = array<i32>} : memref<32x128xf32, #tpu.memory_space<vmem>>, vector<16xf32>,
      tpu.vector_store %arg10[%swap3A_38, %swap3A_39], %broadcast_in_dim3A_37 {strides = array<i32>} : memref<32x128xf32, #tpu.memory_space<vmem>>, vector<16xf32>,
      %broadcast_in_dim3A_41 = arith.constant 0.000000e+00 : f32
      %broadcast_in_dim3A_42 = vector.broadcast %broadcast_in_dim3A_41 : f32 to vector<16xf32>
      %swap3A_43 = arith.index_cast %add3A_27 : i32 to index
      %swap3A_44 = arith.constant 48 : index
      %swap3A_45 = tpu.vector_load %arg10[%swap3A_43, %swap3A_44] {strides = array<i32>} : memref<32x128xf32, #tpu.memory_space<vmem>>, vector<16xf32>,
      tpu.vector_store %arg10[%swap3A_43, %swap3A_44], %broadcast_in_dim3A_42 {strides = array<i32>} : memref<32x128xf32, #tpu.memory_space<vmem>>, vector<16xf32>,
      %broadcast_in_dim3A_46 = arith.constant 0.000000e+00 : f32
      %broadcast_in_dim3A_47 = vector.broadcast %broadcast_in_dim3A_46 : f32 to vector<16xf32>
      %swap3A_48 = arith.index_cast %add3A_27 : i32 to index
      %swap3A_49 = arith.constant 64 : index
      %swap3A_50 = tpu.vector_load %arg10[%swap3A_48, %swap3A_49] {strides = array<i32>} : memref<32x128xf32, #tpu.memory_space<vmem>>, vector<16xf32>,
      tpu.vector_store %arg10[%swap3A_48, %swap3A_49], %broadcast_in_dim3A_47 {strides = array<i32>} : memref<32x128xf32, #tpu.memory_space<vmem>>, vector<16xf32>,
      %broadcast_in_dim3A_51 = arith.constant 0.000000e+00 : f32
      %broadcast_in_dim3A_52 = vector.broadcast %broadcast_in_dim3A_51 : f32 to vector<16xf32>
      %swap3A_53 = arith.index_cast %add3A_27 : i32 to index
      %swap3A_54 = arith.constant 80 : index
      %swap3A_55 = tpu.vector_load %arg10[%swap3A_53, %swap3A_54] {strides = array<i32>} : memref<32x128xf32, #tpu.memory_space<vmem>>, vector<16xf32>,
      tpu.vector_store %arg10[%swap3A_53, %swap3A_54], %broadcast_in_dim3A_52 {strides = array<i32>} : memref<32x128xf32, #tpu.memory_space<vmem>>, vector<16xf32>,
      %broadcast_in_dim3A_56 = arith.constant 0.000000e+00 : f32
      %broadcast_in_dim3A_57 = vector.broadcast %broadcast_in_dim3A_56 : f32 to vector<16xf32>
      %swap3A_58 = arith.index_cast %add3A_27 : i32 to index
      %swap3A_59 = arith.constant 96 : index
      %swap3A_60 = tpu.vector_load %arg10[%swap3A_58, %swap3A_59] {strides = array<i32>} : memref<32x128xf32, #tpu.memory_space<vmem>>, vector<16xf32>,
      tpu.vector_store %arg10[%swap3A_58, %swap3A_59], %broadcast_in_dim3A_57 {strides = array<i32>} : memref<32x128xf32, #tpu.memory_space<vmem>>, vector<16xf32>,
      %broadcast_in_dim3A_61 = arith.constant 0.000000e+00 : f32
      %broadcast_in_dim3A_62 = vector.broadcast %broadcast_in_dim3A_61 : f32 to vector<16xf32>
      %swap3A_63 = arith.index_cast %add3A_27 : i32 to index
      %swap3A_64 = arith.constant 112 : index
      %swap3A_65 = tpu.vector_load %arg10[%swap3A_63, %swap3A_64] {strides = array<i32>} : memref<32x128xf32, #tpu.memory_space<vmem>>, vector<16xf32>,
      tpu.vector_store %arg10[%swap3A_63, %swap3A_64], %broadcast_in_dim3A_62 {strides = array<i32>} : memref<32x128xf32, #tpu.memory_space<vmem>>, vector<16xf32>,
    }
    %scan3A_3 = arith.constant 32 : i32
    %scan3A_4 = arith.constant 0 : i32
    %scan3A_5 = arith.constant 64 : i32
    %scan3A_6 = arith.addi %scan3A_4, %scan3A_5 : i32
    %scan3A_7 = arith.constant 1 : i32
    scf.for %scan3A_25 = %scan3A_4 to %scan3A_6 step %scan3A_7  : i32 {
      %mul3A = arith.constant 1 : i32
      %mul3A_26 = arith.muli %scan3A_25, %mul3A : i32
      %add3A = arith.constant 0 : i32
      %add3A_27 = arith.addi %add3A, %mul3A_26 : i32
      %broadcast_in_dim3A = arith.constant 0.000000e+00 : f32
      %broadcast_in_dim3A_28 = vector.broadcast %broadcast_in_dim3A : f32 to vector<16xf32>
      %swap3A = arith.index_cast %add3A_27 : i32 to index
      %swap3A_29 = arith.constant 0 : index
      %swap3A_30 = tpu.vector_load %arg9[%swap3A, %swap3A_29] {strides = array<i32>} : memref<64x128xf32, #tpu.memory_space<vmem>>, vector<16xf32>,
      tpu.vector_store %arg9[%swap3A, %swap3A_29], %broadcast_in_dim3A_28 {strides = array<i32>} : memref<64x128xf32, #tpu.memory_space<vmem>>, vector<16xf32>,
      %broadcast_in_dim3A_31 = arith.constant 0.000000e+00 : f32
      %broadcast_in_dim3A_32 = vector.broadcast %broadcast_in_dim3A_31 : f32 to vector<16xf32>
      %swap3A_33 = arith.index_cast %add3A_27 : i32 to index
      %swap3A_34 = arith.constant 16 : index
      %swap3A_35 = tpu.vector_load %arg9[%swap3A_33, %swap3A_34] {strides = array<i32>} : memref<64x128xf32, #tpu.memory_space<vmem>>, vector<16xf32>,
      tpu.vector_store %arg9[%swap3A_33, %swap3A_34], %broadcast_in_dim3A_32 {strides = array<i32>} : memref<64x128xf32, #tpu.memory_space<vmem>>, vector<16xf32>,
      %broadcast_in_dim3A_36 = arith.constant 0.000000e+00 : f32
      %broadcast_in_dim3A_37 = vector.broadcast %broadcast_in_dim3A_36 : f32 to vector<16xf32>
      %swap3A_38 = arith.index_cast %add3A_27 : i32 to index
      %swap3A_39 = arith.constant 32 : index
      %swap3A_40 = tpu.vector_load %arg9[%swap3A_38, %swap3A_39] {strides = array<i32>} : memref<64x128xf32, #tpu.memory_space<vmem>>, vector<16xf32>,
      tpu.vector_store %arg9[%swap3A_38, %swap3A_39], %broadcast_in_dim3A_37 {strides = array<i32>} : memref<64x128xf32, #tpu.memory_space<vmem>>, vector<16xf32>,
      %broadcast_in_dim3A_41 = arith.constant 0.000000e+00 : f32
      %broadcast_in_dim3A_42 = vector.broadcast %broadcast_in_dim3A_41 : f32 to vector<16xf32>
      %swap3A_43 = arith.index_cast %add3A_27 : i32 to index
      %swap3A_44 = arith.constant 48 : index
      %swap3A_45 = tpu.vector_load %arg9[%swap3A_43, %swap3A_44] {strides = array<i32>} : memref<64x128xf32, #tpu.memory_space<vmem>>, vector<16xf32>,
      tpu.vector_store %arg9[%swap3A_43, %swap3A_44], %broadcast_in_dim3A_42 {strides = array<i32>} : memref<64x128xf32, #tpu.memory_space<vmem>>, vector<16xf32>,
      %broadcast_in_dim3A_46 = arith.constant 0.000000e+00 : f32
      %broadcast_in_dim3A_47 = vector.broadcast %broadcast_in_dim3A_46 : f32 to vector<16xf32>
      %swap3A_48 = arith.index_cast %add3A_27 : i32 to index
      %swap3A_49 = arith.constant 64 : index
      %swap3A_50 = tpu.vector_load %arg9[%swap3A_48, %swap3A_49] {strides = array<i32>} : memref<64x128xf32, #tpu.memory_space<vmem>>, vector<16xf32>,
      tpu.vector_store %arg9[%swap3A_48, %swap3A_49], %broadcast_in_dim3A_47 {strides = array<i32>} : memref<64x128xf32, #tpu.memory_space<vmem>>, vector<16xf32>,
      %broadcast_in_dim3A_51 = arith.constant 0.000000e+00 : f32
      %broadcast_in_dim3A_52 = vector.broadcast %broadcast_in_dim3A_51 : f32 to vector<16xf32>
      %swap3A_53 = arith.index_cast %add3A_27 : i32 to index
      %swap3A_54 = arith.constant 80 : index
      %swap3A_55 = tpu.vector_load %arg9[%swap3A_53, %swap3A_54] {strides = array<i32>} : memref<64x128xf32, #tpu.memory_space<vmem>>, vector<16xf32>,
      tpu.vector_store %arg9[%swap3A_53, %swap3A_54], %broadcast_in_dim3A_52 {strides = array<i32>} : memref<64x128xf32, #tpu.memory_space<vmem>>, vector<16xf32>,
      %broadcast_in_dim3A_56 = arith.constant 0.000000e+00 : f32
      %broadcast_in_dim3A_57 = vector.broadcast %broadcast_in_dim3A_56 : f32 to vector<16xf32>
      %swap3A_58 = arith.index_cast %add3A_27 : i32 to index
      %swap3A_59 = arith.constant 96 : index
      %swap3A_60 = tpu.vector_load %arg9[%swap3A_58, %swap3A_59] {strides = array<i32>} : memref<64x128xf32, #tpu.memory_space<vmem>>, vector<16xf32>,
      tpu.vector_store %arg9[%swap3A_58, %swap3A_59], %broadcast_in_dim3A_57 {strides = array<i32>} : memref<64x128xf32, #tpu.memory_space<vmem>>, vector<16xf32>,
      %broadcast_in_dim3A_61 = arith.constant 0.000000e+00 : f32
      %broadcast_in_dim3A_62 = vector.broadcast %broadcast_in_dim3A_61 : f32 to vector<16xf32>
      %swap3A_63 = arith.index_cast %add3A_27 : i32 to index
      %swap3A_64 = arith.constant 112 : index
      %swap3A_65 = tpu.vector_load %arg9[%swap3A_63, %swap3A_64] {strides = array<i32>} : memref<64x128xf32, #tpu.memory_space<vmem>>, vector<16xf32>,
      tpu.vector_store %arg9[%swap3A_63, %swap3A_64], %broadcast_in_dim3A_62 {strides = array<i32>} : memref<64x128xf32, #tpu.memory_space<vmem>>, vector<16xf32>,
    }
    %scan3A_8 = arith.constant 64 : i32
    %scan3A_9 = arith.constant 0 : i32
    %scan3A_10 = arith.constant 20 : i32
    %scan3A_11 = arith.addi %scan3A_9, %scan3A_10 : i32
    %scan3A_12 = arith.constant 1 : i32
    scf.for %scan3A_25 = %scan3A_9 to %scan3A_11 step %scan3A_12  : i32 {
      %mul3A = arith.constant 1 : i32
      %mul3A_26 = arith.muli %scan3A_25, %mul3A : i32
      %add3A = arith.constant 0 : i32
      %add3A_27 = arith.addi %add3A, %mul3A_26 : i32
      %mul3A_28 = arith.constant 16 : i32
      %mul3A_29 = arith.muli %mul3A_28, %add3A_27 : i32
      %add3A_30 = arith.addi %arg1, %mul3A_29 : i32
      %lt3A = arith.constant 316 : i32
      %lt3A_31 = arith.cmpi slt, %add3A_30, %lt3A : i32
      %convert_element_type3A = arith.extui %lt3A_31 : i1 to i32
      %cond3A = arith.constant 0 : i32
      %cond3A_32 = arith.cmpi ne, %convert_element_type3A, %cond3A : i32
      scf.if %cond3A_32 {
        %mul3A_33 = arith.constant 32 : i32
        %mul3A_34 = arith.muli %add3A_30, %mul3A_33 : i32
        "tpu.region"() ({
          %run_scoped3A = tpu.sem_alloc : memref<!tpu.dma_semaphore, #tpu.memory_space<semaphore_mem>>
          %dma_start3A = tpu.memref_slice %arg4[%mul3A_34] : memref<10112xi32, #tpu.memory_space<hbm>> -> memref<32xi32, #tpu.memory_space<hbm>>
          %dma_start3A_35 = tpu.memref_slice %arg4[%mul3A_34] : memref<10112xi32, #tpu.memory_space<hbm>> -> memref<32xi32, #tpu.memory_space<hbm>>
          tpu.enqueue_dma source(%dma_start3A_35 : memref<32xi32, #tpu.memory_space<hbm>>) target(%arg11 : memref<32xi32, #tpu.memory_space<vmem>>) target_semaphore(%run_scoped3A : memref<!tpu.dma_semaphore, #tpu.memory_space<semaphore_mem>>)
          %dma_wait3A = tpu.memref_slice %arg4[%mul3A_34] : memref<10112xi32, #tpu.memory_space<hbm>> -> memref<32xi32, #tpu.memory_space<hbm>>
          %dma_wait3A_36 = tpu.memref_slice %arg4[%mul3A_34] : memref<10112xi32, #tpu.memory_space<hbm>> -> memref<32xi32, #tpu.memory_space<hbm>>
          tpu.wait_dma2 semaphore(%run_scoped3A : memref<!tpu.dma_semaphore, #tpu.memory_space<semaphore_mem>>) src(%dma_wait3A_36 : memref<32xi32, #tpu.memory_space<hbm>>) dst(%arg11 : memref<32xi32, #tpu.memory_space<vmem>>)
          tpu.yield
        }) : () -> ()
        "tpu.region"() ({
          %run_scoped3A = tpu.sem_alloc : memref<!tpu.dma_semaphore, #tpu.memory_space<semaphore_mem>>
          %dma_start3A = arith.constant 0 : i32
          %dma_start3A_35 = arith.constant 0 : i32
          %dma_start3A_36 = tpu.memref_slice %arg6[%dma_start3A, %dma_start3A_35] : memref<10112x128xf32, #tpu.memory_space<vmem_shared>> -> memref<10112x128xf32, #tpu.memory_space<vmem_shared>>
          tpu.enqueue_indirect_dma source(%arg10 : memref<32x128xf32, #tpu.memory_space<vmem>>) target(%dma_start3A_36 : memref<10112x128xf32, #tpu.memory_space<vmem_shared>>) offsets(%arg11 : memref<32xi32, #tpu.memory_space<vmem>>) semaphore(%run_scoped3A : memref<!tpu.dma_semaphore, #tpu.memory_space<semaphore_mem>>)
          %dma_wait3A = arith.constant 0 : i32
          %dma_wait3A_37 = arith.constant 0 : i32
          %dma_wait3A_38 = tpu.memref_slice %arg6[%dma_wait3A, %dma_wait3A_37] : memref<10112x128xf32, #tpu.memory_space<vmem_shared>> -> memref<10112x128xf32, #tpu.memory_space<vmem_shared>>
          tpu.wait_indirect_dma semaphore(%run_scoped3A : memref<!tpu.dma_semaphore, #tpu.memory_space<semaphore_mem>>) src(%arg10 : memref<32x128xf32, #tpu.memory_space<vmem>>) dst(%dma_wait3A_38 : memref<10112x128xf32, #tpu.memory_space<vmem_shared>>)
          tpu.yield
        }) : () -> ()
      } else {
      }
    }
    %scan3A_13 = arith.constant 20 : i32
    %barrier3A = arith.constant 0 : index
    tpu.barrier barrier_id(%barrier3A)
    %scan3A_14 = arith.constant 0 : i32
    %scan3A_15 = arith.constant 161 : i32
    %scan3A_16 = arith.addi %scan3A_14, %scan3A_15 : i32
    %scan3A_17 = arith.constant 1 : i32
    scf.for %scan3A_25 = %scan3A_14 to %scan3A_16 step %scan3A_17  : i32 {
      %mul3A = arith.constant 1 : i32
      %mul3A_26 = arith.muli %scan3A_25, %mul3A : i32
      %add3A = arith.constant 0 : i32
      %add3A_27 = arith.addi %add3A, %mul3A_26 : i32
      %mul3A_28 = arith.constant 16 : i32
      %mul3A_29 = arith.muli %arg0, %mul3A_28 : i32
      %add3A_30 = arith.addi %mul3A_29, %arg1 : i32
      %mul3A_31 = arith.constant 10336 : i32
      %mul3A_32 = arith.muli %add3A_30, %mul3A_31 : i32
      %mul3A_33 = arith.constant 64 : i32
      %mul3A_34 = arith.muli %add3A_27, %mul3A_33 : i32
      %add3A_35 = arith.addi %mul3A_32, %mul3A_34 : i32
      "tpu.region"() ({
        %run_scoped3A = tpu.sem_alloc : memref<!tpu.dma_semaphore, #tpu.memory_space<semaphore_mem>>
        %dma_start3A = tpu.memref_slice %arg2[%add3A_35] : memref<330752xi32, #tpu.memory_space<hbm>> -> memref<64xi32, #tpu.memory_space<hbm>>
        %dma_start3A_41 = tpu.memref_slice %arg2[%add3A_35] : memref<330752xi32, #tpu.memory_space<hbm>> -> memref<64xi32, #tpu.memory_space<hbm>>
        tpu.enqueue_dma source(%dma_start3A_41 : memref<64xi32, #tpu.memory_space<hbm>>) target(%arg7 : memref<64xi32, #tpu.memory_space<vmem>>) target_semaphore(%run_scoped3A : memref<!tpu.dma_semaphore, #tpu.memory_space<semaphore_mem>>)
        %dma_wait3A = tpu.memref_slice %arg2[%add3A_35] : memref<330752xi32, #tpu.memory_space<hbm>> -> memref<64xi32, #tpu.memory_space<hbm>>
        %dma_wait3A_42 = tpu.memref_slice %arg2[%add3A_35] : memref<330752xi32, #tpu.memory_space<hbm>> -> memref<64xi32, #tpu.memory_space<hbm>>
        tpu.wait_dma2 semaphore(%run_scoped3A : memref<!tpu.dma_semaphore, #tpu.memory_space<semaphore_mem>>) src(%dma_wait3A_42 : memref<64xi32, #tpu.memory_space<hbm>>) dst(%arg7 : memref<64xi32, #tpu.memory_space<vmem>>)
        tpu.yield
      }) : () -> ()
      "tpu.region"() ({
        %run_scoped3A = tpu.sem_alloc : memref<!tpu.dma_semaphore, #tpu.memory_space<semaphore_mem>>
        %dma_start3A = arith.constant 0 : i32
        %dma_start3A_41 = tpu.memref_slice %arg3[%add3A_35, %dma_start3A] : memref<330752x16xf32, #tpu.memory_space<hbm>> -> memref<64x16xf32, #tpu.memory_space<hbm>>
        %dma_start3A_42 = arith.constant 0 : i32
        %dma_start3A_43 = tpu.memref_slice %arg3[%add3A_35, %dma_start3A_42] : memref<330752x16xf32, #tpu.memory_space<hbm>> -> memref<64x16xf32, #tpu.memory_space<hbm>>
        tpu.enqueue_dma source(%dma_start3A_43 : memref<64x16xf32, #tpu.memory_space<hbm>>) target(%arg8 : memref<64x16xf32, #tpu.memory_space<vmem>>) target_semaphore(%run_scoped3A : memref<!tpu.dma_semaphore, #tpu.memory_space<semaphore_mem>>)
        %dma_wait3A = arith.constant 0 : i32
        %dma_wait3A_44 = tpu.memref_slice %arg3[%add3A_35, %dma_wait3A] : memref<330752x16xf32, #tpu.memory_space<hbm>> -> memref<64x16xf32, #tpu.memory_space<hbm>>
        %dma_wait3A_45 = arith.constant 0 : i32
        %dma_wait3A_46 = tpu.memref_slice %arg3[%add3A_35, %dma_wait3A_45] : memref<330752x16xf32, #tpu.memory_space<hbm>> -> memref<64x16xf32, #tpu.memory_space<hbm>>
        tpu.wait_dma2 semaphore(%run_scoped3A : memref<!tpu.dma_semaphore, #tpu.memory_space<semaphore_mem>>) src(%dma_wait3A_46 : memref<64x16xf32, #tpu.memory_space<hbm>>) dst(%arg8 : memref<64x16xf32, #tpu.memory_space<vmem>>)
        tpu.yield
      }) : () -> ()
      %scan3A_36 = arith.constant 0 : i32
      %scan3A_37 = arith.constant 64 : i32
      %scan3A_38 = arith.addi %scan3A_36, %scan3A_37 : i32
      %scan3A_39 = arith.constant 1 : i32
      scf.for %scan3A_41 = %scan3A_36 to %scan3A_38 step %scan3A_39  : i32 {
        %mul3A_42 = arith.constant 1 : i32
        %mul3A_43 = arith.muli %scan3A_41, %mul3A_42 : i32
        %add3A_44 = arith.constant 0 : i32
        %add3A_45 = arith.addi %add3A_44, %mul3A_43 : i32
        %get3A = arith.index_cast %add3A_45 : i32 to index
        %get3A_46 = arith.constant 0 : index
        %get3A_47 = tpu.vector_load %arg8[%get3A, %get3A_46] {strides = array<i32>} : memref<64x16xf32, #tpu.memory_space<vmem>>, vector<16xf32>,
        %swap3A = arith.index_cast %add3A_45 : i32 to index
        %swap3A_48 = arith.constant 0 : index
        %swap3A_49 = tpu.vector_load %arg9[%swap3A, %swap3A_48] {strides = array<i32>} : memref<64x128xf32, #tpu.memory_space<vmem>>, vector<16xf32>,
        tpu.vector_store %arg9[%swap3A, %swap3A_48], %get3A_47 {strides = array<i32>} : memref<64x128xf32, #tpu.memory_space<vmem>>, vector<16xf32>,
      }
      %scan3A_40 = arith.constant 64 : i32
      "tpu.region"() ({
        %run_scoped3A = tpu.sem_alloc : memref<!tpu.dma_semaphore, #tpu.memory_space<semaphore_mem>>
        %dma_start3A = arith.constant 0 : i32
        %dma_start3A_41 = arith.constant 0 : i32
        %dma_start3A_42 = tpu.memref_slice %arg6[%dma_start3A, %dma_start3A_41] : memref<10112x128xf32, #tpu.memory_space<vmem_shared>> -> memref<10112x128xf32, #tpu.memory_space<vmem_shared>>
        tpu.enqueue_indirect_dma source(%arg9 : memref<64x128xf32, #tpu.memory_space<vmem>>) target(%dma_start3A_42 : memref<10112x128xf32, #tpu.memory_space<vmem_shared>>) offsets(%arg7 : memref<64xi32, #tpu.memory_space<vmem>>) semaphore(%run_scoped3A : memref<!tpu.dma_semaphore, #tpu.memory_space<semaphore_mem>>) {add = true}
        %dma_wait3A = arith.constant 0 : i32
        %dma_wait3A_43 = arith.constant 0 : i32
        %dma_wait3A_44 = tpu.memref_slice %arg6[%dma_wait3A, %dma_wait3A_43] : memref<10112x128xf32, #tpu.memory_space<vmem_shared>> -> memref<10112x128xf32, #tpu.memory_space<vmem_shared>>
        tpu.wait_indirect_dma semaphore(%run_scoped3A : memref<!tpu.dma_semaphore, #tpu.memory_space<semaphore_mem>>) src(%arg9 : memref<64x128xf32, #tpu.memory_space<vmem>>) dst(%dma_wait3A_44 : memref<10112x128xf32, #tpu.memory_space<vmem_shared>>)
        tpu.yield
      }) : () -> ()
    }
    %scan3A_18 = arith.constant 161 : i32
    %barrier3A_19 = arith.constant 0 : index
    tpu.barrier barrier_id(%barrier3A_19)
    %scan3A_20 = arith.constant 0 : i32
    %scan3A_21 = arith.constant 20 : i32
    %scan3A_22 = arith.addi %scan3A_20, %scan3A_21 : i32
    %scan3A_23 = arith.constant 1 : i32
    scf.for %scan3A_25 = %scan3A_20 to %scan3A_22 step %scan3A_23  : i32 {
      %mul3A = arith.constant 1 : i32
      %mul3A_26 = arith.muli %scan3A_25, %mul3A : i32
      %add3A = arith.constant 0 : i32
      %add3A_27 = arith.addi %add3A, %mul3A_26 : i32
      %mul3A_28 = arith.constant 16 : i32
      %mul3A_29 = arith.muli %mul3A_28, %add3A_27 : i32
      %add3A_30 = arith.addi %arg1, %mul3A_29 : i32
      %lt3A = arith.constant 316 : i32
      %lt3A_31 = arith.cmpi slt, %add3A_30, %lt3A : i32
      %convert_element_type3A = arith.extui %lt3A_31 : i1 to i32
      %cond3A = arith.constant 0 : i32
      %cond3A_32 = arith.cmpi ne, %convert_element_type3A, %cond3A : i32
      scf.if %cond3A_32 {
        %mul3A_33 = arith.constant 32 : i32
        %mul3A_34 = arith.muli %add3A_30, %mul3A_33 : i32
        "tpu.region"() ({
          %run_scoped3A = tpu.sem_alloc : memref<!tpu.dma_semaphore, #tpu.memory_space<semaphore_mem>>
          %dma_start3A = tpu.memref_slice %arg4[%mul3A_34] : memref<10112xi32, #tpu.memory_space<hbm>> -> memref<32xi32, #tpu.memory_space<hbm>>
          %dma_start3A_40 = tpu.memref_slice %arg4[%mul3A_34] : memref<10112xi32, #tpu.memory_space<hbm>> -> memref<32xi32, #tpu.memory_space<hbm>>
          tpu.enqueue_dma source(%dma_start3A_40 : memref<32xi32, #tpu.memory_space<hbm>>) target(%arg11 : memref<32xi32, #tpu.memory_space<vmem>>) target_semaphore(%run_scoped3A : memref<!tpu.dma_semaphore, #tpu.memory_space<semaphore_mem>>)
          %dma_wait3A = tpu.memref_slice %arg4[%mul3A_34] : memref<10112xi32, #tpu.memory_space<hbm>> -> memref<32xi32, #tpu.memory_space<hbm>>
          %dma_wait3A_41 = tpu.memref_slice %arg4[%mul3A_34] : memref<10112xi32, #tpu.memory_space<hbm>> -> memref<32xi32, #tpu.memory_space<hbm>>
          tpu.wait_dma2 semaphore(%run_scoped3A : memref<!tpu.dma_semaphore, #tpu.memory_space<semaphore_mem>>) src(%dma_wait3A_41 : memref<32xi32, #tpu.memory_space<hbm>>) dst(%arg11 : memref<32xi32, #tpu.memory_space<vmem>>)
          tpu.yield
        }) : () -> ()
        "tpu.region"() ({
          %run_scoped3A = tpu.sem_alloc : memref<!tpu.dma_semaphore, #tpu.memory_space<semaphore_mem>>
          %dma_start3A = arith.constant 0 : i32
          %dma_start3A_40 = arith.constant 0 : i32
          %dma_start3A_41 = tpu.memref_slice %arg6[%dma_start3A, %dma_start3A_40] : memref<10112x128xf32, #tpu.memory_space<vmem_shared>> -> memref<10112x128xf32, #tpu.memory_space<vmem_shared>>
          tpu.enqueue_indirect_dma source(%dma_start3A_41 : memref<10112x128xf32, #tpu.memory_space<vmem_shared>>) target(%arg10 : memref<32x128xf32, #tpu.memory_space<vmem>>) offsets(%arg11 : memref<32xi32, #tpu.memory_space<vmem>>) semaphore(%run_scoped3A : memref<!tpu.dma_semaphore, #tpu.memory_space<semaphore_mem>>)
          %dma_wait3A = arith.constant 0 : i32
          %dma_wait3A_42 = arith.constant 0 : i32
          %dma_wait3A_43 = tpu.memref_slice %arg6[%dma_wait3A, %dma_wait3A_42] : memref<10112x128xf32, #tpu.memory_space<vmem_shared>> -> memref<10112x128xf32, #tpu.memory_space<vmem_shared>>
          tpu.wait_indirect_dma semaphore(%run_scoped3A : memref<!tpu.dma_semaphore, #tpu.memory_space<semaphore_mem>>) src(%dma_wait3A_43 : memref<10112x128xf32, #tpu.memory_space<vmem_shared>>) dst(%arg10 : memref<32x128xf32, #tpu.memory_space<vmem>>)
          tpu.yield
        }) : () -> ()
        %mul3A_35 = arith.constant 10112 : i32
        %mul3A_36 = arith.muli %arg0, %mul3A_35 : i32
        %mul3A_37 = arith.constant 32 : i32
        %mul3A_38 = arith.muli %add3A_30, %mul3A_37 : i32
        %add3A_39 = arith.addi %mul3A_36, %mul3A_38 : i32
        "tpu.region"() ({
          %run_scoped3A = tpu.sem_alloc : memref<!tpu.dma_semaphore, #tpu.memory_space<semaphore_mem>>
          %dma_start3A = arith.constant 0 : i32
          %dma_start3A_40 = tpu.memref_slice %arg5[%add3A_39, %dma_start3A] : memref<20224x128xf32, #tpu.memory_space<hbm>> -> memref<32x128xf32, #tpu.memory_space<hbm>>
          %dma_start3A_41 = arith.constant 0 : i32
          %dma_start3A_42 = tpu.memref_slice %arg5[%add3A_39, %dma_start3A_41] : memref<20224x128xf32, #tpu.memory_space<hbm>> -> memref<32x128xf32, #tpu.memory_space<hbm>>
          tpu.enqueue_dma source(%arg10 : memref<32x128xf32, #tpu.memory_space<vmem>>) target(%dma_start3A_42 : memref<32x128xf32, #tpu.memory_space<hbm>>) target_semaphore(%run_scoped3A : memref<!tpu.dma_semaphore, #tpu.memory_space<semaphore_mem>>)
          %dma_wait3A = arith.constant 0 : i32
          %dma_wait3A_43 = tpu.memref_slice %arg5[%add3A_39, %dma_wait3A] : memref<20224x128xf32, #tpu.memory_space<hbm>> -> memref<32x128xf32, #tpu.memory_space<hbm>>
          %dma_wait3A_44 = arith.constant 0 : i32
          %dma_wait3A_45 = tpu.memref_slice %arg5[%add3A_39, %dma_wait3A_44] : memref<20224x128xf32, #tpu.memory_space<hbm>> -> memref<32x128xf32, #tpu.memory_space<hbm>>
          tpu.wait_dma2 semaphore(%run_scoped3A : memref<!tpu.dma_semaphore, #tpu.memory_space<semaphore_mem>>) src(%arg10 : memref<32x128xf32, #tpu.memory_space<vmem>>) dst(%dma_wait3A_45 : memref<32x128xf32, #tpu.memory_space<hbm>>)
          tpu.yield
        }) : () -> ()
      } else {
      }
    }
    %scan3A_24 = arith.constant 20 : i32
    return
  }
}

module attributes {stable_mosaic.version = 14 : i64} {
  func.func @_prep_body(%arg0: memref<10000x128xf32, #tpu.memory_space<vmem>>, %arg1: memref<128x256xf32, #tpu.memory_space<vmem>>, %arg2: memref<1x256xf32, #tpu.memory_space<vmem>>, %arg3: memref<1x256xf32, #tpu.memory_space<vmem>>, %arg4: memref<256x16xf32, #tpu.memory_space<vmem>>, %arg5: memref<20224x128xf32, #tpu.memory_space<vmem>>, %arg6: memref<10112x128xf32, #tpu.memory_space<vmem>>) attributes {dimension_semantics = [], scalar_prefetch = 0 : i64, scratch_operands = 0 : i64, tpu.core_type = #tpu.core_type<tc>} {
    %get3A = arith.constant 0 : index
    %get3A_0 = arith.constant 0 : index
    %get3A_1 = vector.load %arg0[%get3A, %get3A_0] : memref<10000x128xf32, #tpu.memory_space<vmem>>, vector<10000x128xf32>
    %get3A_2 = arith.constant 0 : index
    %get3A_3 = arith.constant 0 : index
    %get3A_4 = vector.load %arg1[%get3A_2, %get3A_3] : memref<128x256xf32, #tpu.memory_space<vmem>>, vector<128x256xf32>
    %dot_general3A = arith.constant dense<0.000000e+00> : vector<10000x256xf32>
    %dot_general3A_5 = tpu.matmul %get3A_1, %get3A_4, %dot_general3A {dimension_numbers = #tpu.dot_dimension_numbers<[1], [0], [0], [1], [0, 0, 1, 1], [], []>, transpose_lhs_hint = false} : vector<10000x128xf32>, vector<128x256xf32>, vector<10000x256xf32> -> vector<10000x256xf32>
    %slice3A = vector.extract_strided_slice %dot_general3A_5 {offsets = [0, 0], sizes = [10000, 128], strides = [1, 1]} : vector<10000x256xf32> to vector<10000x128xf32>
    %swap3A = arith.constant 0 : index
    %swap3A_6 = arith.constant 0 : index
    %swap3A_7 = vector.load %arg5[%swap3A, %swap3A_6] : memref<20224x128xf32, #tpu.memory_space<vmem>>, vector<10000x128xf32>
    tpu.vector_store %arg5[%swap3A, %swap3A_6], %slice3A {strides = array<i32>} : memref<20224x128xf32, #tpu.memory_space<vmem>>, vector<10000x128xf32>,
    %slice3A_8 = vector.extract_strided_slice %dot_general3A_5 {offsets = [0, 128], sizes = [10000, 128], strides = [1, 1]} : vector<10000x256xf32> to vector<10000x128xf32>
    %swap3A_9 = arith.constant 10112 : index
    %swap3A_10 = arith.constant 0 : index
    %swap3A_11 = vector.load %arg5[%swap3A_9, %swap3A_10] : memref<20224x128xf32, #tpu.memory_space<vmem>>, vector<10000x128xf32>
    tpu.vector_store %arg5[%swap3A_9, %swap3A_10], %slice3A_8 {strides = array<i32>} : memref<20224x128xf32, #tpu.memory_space<vmem>>, vector<10000x128xf32>,
    %broadcast_in_dim3A = arith.constant 0.000000e+00 : f32
    %broadcast_in_dim3A_12 = vector.broadcast %broadcast_in_dim3A : f32 to vector<112x128xf32>
    %swap3A_13 = arith.constant 10000 : index
    %swap3A_14 = arith.constant 0 : index
    %swap3A_15 = vector.load %arg5[%swap3A_13, %swap3A_14] : memref<20224x128xf32, #tpu.memory_space<vmem>>, vector<112x128xf32>
    tpu.vector_store %arg5[%swap3A_13, %swap3A_14], %broadcast_in_dim3A_12 {strides = array<i32>} : memref<20224x128xf32, #tpu.memory_space<vmem>>, vector<112x128xf32>,
    %swap3A_16 = arith.constant 20112 : index
    %swap3A_17 = arith.constant 0 : index
    %swap3A_18 = vector.load %arg5[%swap3A_16, %swap3A_17] : memref<20224x128xf32, #tpu.memory_space<vmem>>, vector<112x128xf32>
    tpu.vector_store %arg5[%swap3A_16, %swap3A_17], %broadcast_in_dim3A_12 {strides = array<i32>} : memref<20224x128xf32, #tpu.memory_space<vmem>>, vector<112x128xf32>,
    %get3A_19 = arith.constant 0 : index
    %get3A_20 = arith.constant 0 : index
    %get3A_21 = vector.load %arg2[%get3A_19, %get3A_20] : memref<1x256xf32, #tpu.memory_space<vmem>>, vector<1x256xf32>
    %mul3A = vector.broadcast %get3A_21 : vector<1x256xf32> to vector<10000x256xf32>
    %mul3A_22 = arith.mulf %dot_general3A_5, %mul3A : vector<10000x256xf32>
    %get3A_23 = arith.constant 0 : index
    %get3A_24 = arith.constant 0 : index
    %get3A_25 = vector.load %arg4[%get3A_23, %get3A_24] : memref<256x16xf32, #tpu.memory_space<vmem>>, vector<256x16xf32>
    %dot_general3A_26 = arith.constant dense<0.000000e+00> : vector<10000x16xf32>
    %dot_general3A_27 = tpu.matmul %mul3A_22, %get3A_25, %dot_general3A_26 {dimension_numbers = #tpu.dot_dimension_numbers<[1], [0], [0], [1], [0, 0, 1, 1], [], []>, transpose_lhs_hint = false} : vector<10000x256xf32>, vector<256x16xf32>, vector<10000x16xf32> -> vector<10000x16xf32>
    %swap3A_28 = arith.constant 0 : index
    %swap3A_29 = arith.constant 0 : index
    %swap3A_30 = vector.load %arg6[%swap3A_28, %swap3A_29] : memref<10112x128xf32, #tpu.memory_space<vmem>>, vector<10000x16xf32>
    tpu.vector_store %arg6[%swap3A_28, %swap3A_29], %dot_general3A_27 {strides = array<i32>} : memref<10112x128xf32, #tpu.memory_space<vmem>>, vector<10000x16xf32>,
    %get3A_31 = arith.constant 0 : index
    %get3A_32 = arith.constant 0 : index
    %get3A_33 = vector.load %arg3[%get3A_31, %get3A_32] : memref<1x256xf32, #tpu.memory_space<vmem>>, vector<1x256xf32>
    %mul3A_34 = vector.broadcast %get3A_33 : vector<1x256xf32> to vector<10000x256xf32>
    %mul3A_35 = arith.mulf %dot_general3A_5, %mul3A_34 : vector<10000x256xf32>
    %get3A_36 = arith.constant 0 : index
    %get3A_37 = arith.constant 0 : index
    %get3A_38 = vector.load %arg4[%get3A_36, %get3A_37] : memref<256x16xf32, #tpu.memory_space<vmem>>, vector<256x16xf32>
    %dot_general3A_39 = arith.constant dense<0.000000e+00> : vector<10000x16xf32>
    %dot_general3A_40 = tpu.matmul %mul3A_35, %get3A_38, %dot_general3A_39 {dimension_numbers = #tpu.dot_dimension_numbers<[1], [0], [0], [1], [0, 0, 1, 1], [], []>, transpose_lhs_hint = false} : vector<10000x256xf32>, vector<256x16xf32>, vector<10000x16xf32> -> vector<10000x16xf32>
    %swap3A_41 = arith.constant 0 : index
    %swap3A_42 = arith.constant 16 : index
    %swap3A_43 = vector.load %arg6[%swap3A_41, %swap3A_42] : memref<10112x128xf32, #tpu.memory_space<vmem>>, vector<10000x16xf32>
    tpu.vector_store %arg6[%swap3A_41, %swap3A_42], %dot_general3A_40 {strides = array<i32>} : memref<10112x128xf32, #tpu.memory_space<vmem>>, vector<10000x16xf32>,
    %broadcast_in_dim3A_44 = arith.constant 0.000000e+00 : f32
    %broadcast_in_dim3A_45 = vector.broadcast %broadcast_in_dim3A_44 : f32 to vector<10000x96xf32>
    %swap3A_46 = arith.constant 0 : index
    %swap3A_47 = arith.constant 32 : index
    %swap3A_48 = vector.load %arg6[%swap3A_46, %swap3A_47] : memref<10112x128xf32, #tpu.memory_space<vmem>>, vector<10000x96xf32>
    tpu.vector_store %arg6[%swap3A_46, %swap3A_47], %broadcast_in_dim3A_45 {strides = array<i32>} : memref<10112x128xf32, #tpu.memory_space<vmem>>, vector<10000x96xf32>,
    %broadcast_in_dim3A_49 = arith.constant 0.000000e+00 : f32
    %broadcast_in_dim3A_50 = vector.broadcast %broadcast_in_dim3A_49 : f32 to vector<112x128xf32>
    %swap3A_51 = arith.constant 10000 : index
    %swap3A_52 = arith.constant 0 : index
    %swap3A_53 = vector.load %arg6[%swap3A_51, %swap3A_52] : memref<10112x128xf32, #tpu.memory_space<vmem>>, vector<112x128xf32>
    tpu.vector_store %arg6[%swap3A_51, %swap3A_52], %broadcast_in_dim3A_50 {strides = array<i32>} : memref<10112x128xf32, #tpu.memory_space<vmem>>, vector<112x128xf32>,
    return
  }
}

module attributes {stable_mosaic.version = 14 : i64} {
  func.func @_head_body(%arg0: memref<20224x128xf32, #tpu.memory_space<vmem>>, %arg1: memref<20224x128xf32, #tpu.memory_space<vmem>>, %arg2: memref<16x256xf32, #tpu.memory_space<vmem>>, %arg3: memref<256xf32, #tpu.memory_space<vmem>>, %arg4: memref<256x128xf32, #tpu.memory_space<vmem>>, %arg5: memref<128xf32, #tpu.memory_space<vmem>>, %arg6: memref<128x6xf32, #tpu.memory_space<vmem>>, %arg7: memref<6xf32, #tpu.memory_space<vmem>>, %arg8: memref<1x6xf32, #tpu.memory_space<vmem>>) attributes {dimension_semantics = [], scalar_prefetch = 0 : i64, scratch_operands = 0 : i64, tpu.core_type = #tpu.core_type<tc>} {
    %get3A = arith.constant 0 : index
    %get3A_0 = arith.constant 0 : index
    %get3A_1 = vector.load %arg1[%get3A, %get3A_0] : memref<20224x128xf32, #tpu.memory_space<vmem>>, vector<10000x16xf32>
    %get3A_2 = arith.constant 10112 : index
    %get3A_3 = arith.constant 0 : index
    %get3A_4 = vector.load %arg1[%get3A_2, %get3A_3] : memref<20224x128xf32, #tpu.memory_space<vmem>>, vector<10000x16xf32>
    %add3A = arith.addf %get3A_1, %get3A_4 : vector<10000x16xf32>
    %add3A_5 = arith.constant 1.000000e-16 : f32
    %add3A_6 = vector.broadcast %add3A_5 : f32 to vector<10000x16xf32>
    %add3A_7 = arith.addf %add3A, %add3A_6 : vector<10000x16xf32>
    %div3A = arith.constant 1.000000e+00 : f32
    %div3A_8 = vector.broadcast %div3A : f32 to vector<10000x16xf32>
    %div3A_9 = arith.divf %div3A_8, %add3A_7 : vector<10000x16xf32>
    %get3A_10 = arith.constant 0 : index
    %get3A_11 = arith.constant 0 : index
    %get3A_12 = vector.load %arg2[%get3A_10, %get3A_11] : memref<16x256xf32, #tpu.memory_space<vmem>>, vector<16x256xf32>
    %dot_general3A = arith.constant dense<0.000000e+00> : vector<10000x256xf32>
    %dot_general3A_13 = tpu.matmul %div3A_9, %get3A_12, %dot_general3A {dimension_numbers = #tpu.dot_dimension_numbers<[1], [0], [0], [1], [0, 0, 1, 1], [], []>, transpose_lhs_hint = false} : vector<10000x16xf32>, vector<16x256xf32>, vector<10000x256xf32> -> vector<10000x256xf32>
    %get3A_14 = arith.constant 0 : index
    %get3A_15 = arith.constant 0 : index
    %get3A_16 = vector.load %arg0[%get3A_14, %get3A_15] : memref<20224x128xf32, #tpu.memory_space<vmem>>, vector<10000x128xf32>
    %get3A_17 = arith.constant 10112 : index
    %get3A_18 = arith.constant 0 : index
    %get3A_19 = vector.load %arg0[%get3A_17, %get3A_18] : memref<20224x128xf32, #tpu.memory_space<vmem>>, vector<10000x128xf32>
    %concatenate3A = tpu.concatenate %get3A_16, %get3A_19 in 1 : vector<10000x128xf32>, vector<10000x128xf32> -> vector<10000x256xf32>
    %mul3A = arith.mulf %concatenate3A, %dot_general3A_13 : vector<10000x256xf32>
    %get3A_20 = arith.constant 0 : index
    %get3A_21 = vector.load %arg3[%get3A_20] : memref<256xf32, #tpu.memory_space<vmem>>, vector<256xf32>
    %broadcast_in_dim3A = vector.shape_cast %get3A_21 : vector<256xf32> to vector<1x256xf32>
    %add3A_22 = vector.broadcast %broadcast_in_dim3A : vector<1x256xf32> to vector<10000x256xf32>
    %add3A_23 = arith.addf %mul3A, %add3A_22 : vector<10000x256xf32>
    %gt3A = arith.constant 0.000000e+00 : f32
    %gt3A_24 = vector.broadcast %gt3A : f32 to vector<10000x256xf32>
    %gt3A_25 = arith.cmpf ogt, %add3A_23, %gt3A_24 : vector<10000x256xf32>
    %exp3A = math.exp %add3A_23 : vector<10000x256xf32>
    %sub3A = arith.constant 1.000000e+00 : f32
    %sub3A_26 = vector.broadcast %sub3A : f32 to vector<10000x256xf32>
    %sub3A_27 = arith.subf %exp3A, %sub3A_26 : vector<10000x256xf32>
    %select_n3A = arith.select %gt3A_25, %add3A_23, %sub3A_27 : vector<10000x256xi1>, vector<10000x256xf32>
    %reduce_sum3A = arith.constant dense<0.000000e+00> : vector<256xf32>
    %reduce_sum3A_28 = vector.multi_reduction <add>, %select_n3A, %reduce_sum3A [0] : vector<10000x256xf32> to vector<256xf32>
    %broadcast_in_dim3A_29 = vector.shape_cast %reduce_sum3A_28 : vector<256xf32> to vector<1x256xf32>
    %mul3A_30 = arith.constant 9.99999974E-5 : f32
    %mul3A_31 = vector.broadcast %mul3A_30 : f32 to vector<1x256xf32>
    %mul3A_32 = arith.mulf %broadcast_in_dim3A_29, %mul3A_31 : vector<1x256xf32>
    %get3A_33 = arith.constant 0 : index
    %get3A_34 = arith.constant 0 : index
    %get3A_35 = vector.load %arg4[%get3A_33, %get3A_34] : memref<256x128xf32, #tpu.memory_space<vmem>>, vector<256x128xf32>
    %dot_general3A_36 = arith.constant dense<0.000000e+00> : vector<1x128xf32>
    %dot_general3A_37 = tpu.matmul %mul3A_32, %get3A_35, %dot_general3A_36 {dimension_numbers = #tpu.dot_dimension_numbers<[1], [0], [0], [1], [0, 0, 1, 1], [], []>, transpose_lhs_hint = false} : vector<1x256xf32>, vector<256x128xf32>, vector<1x128xf32> -> vector<1x128xf32>
    %get3A_38 = arith.constant 0 : index
    %get3A_39 = vector.load %arg5[%get3A_38] : memref<128xf32, #tpu.memory_space<vmem>>, vector<128xf32>
    %broadcast_in_dim3A_40 = vector.shape_cast %get3A_39 : vector<128xf32> to vector<1x128xf32>
    %add3A_41 = arith.addf %dot_general3A_37, %broadcast_in_dim3A_40 : vector<1x128xf32>
    %max3A = arith.constant 0.000000e+00 : f32
    %max3A_42 = vector.broadcast %max3A : f32 to vector<1x128xf32>
    %max3A_43 = arith.maximumf %add3A_41, %max3A_42 : vector<1x128xf32>
    %get3A_44 = arith.constant 0 : index
    %get3A_45 = arith.constant 0 : index
    %get3A_46 = vector.load %arg6[%get3A_44, %get3A_45] : memref<128x6xf32, #tpu.memory_space<vmem>>, vector<128x6xf32>
    %dot_general3A_47 = arith.constant dense<0.000000e+00> : vector<1x6xf32>
    %dot_general3A_48 = tpu.matmul %max3A_43, %get3A_46, %dot_general3A_47 {dimension_numbers = #tpu.dot_dimension_numbers<[1], [0], [0], [1], [0, 0, 1, 1], [], []>, transpose_lhs_hint = false} : vector<1x128xf32>, vector<128x6xf32>, vector<1x6xf32> -> vector<1x6xf32>
    %get3A_49 = arith.constant 0 : index
    %get3A_50 = vector.load %arg7[%get3A_49] : memref<6xf32, #tpu.memory_space<vmem>>, vector<6xf32>
    %broadcast_in_dim3A_51 = vector.shape_cast %get3A_50 : vector<6xf32> to vector<1x6xf32>
    %add3A_52 = arith.addf %dot_general3A_48, %broadcast_in_dim3A_51 : vector<1x6xf32>
    %swap3A = arith.constant 0 : index
    %swap3A_53 = arith.constant 0 : index
    %swap3A_54 = vector.load %arg8[%swap3A, %swap3A_53] : memref<1x6xf32, #tpu.memory_space<vmem>>, vector<1x6xf32>
    tpu.vector_store %arg8[%swap3A, %swap3A_53], %add3A_52 {strides = array<i32>} : memref<1x6xf32, #tpu.memory_space<vmem>>, vector<1x6xf32>,
    return
  }
}

</mosaic_0001>

<sc_bundles>
// kernel: kernel.6.cloned.1.call-start
scs
__scs_entry_jumppad:
0x0: {  	(pc) =	sbr.rel $0x88, $3  }
0x1: {  	(tag) =	ssettag $0x0;
	lr =	simm.s32 $0x1  }
0x2: {  	[smem:$0x3F97] =	sst lr;
	_ =	strace $0xD0000000  }
0x3: {  	_ = 	snop  }
0x4: {  	_ = 	snop  }
0x5: {  	_ = 	snop  }
0x6: {  	_ = 	snop  }
0x7: {  	_ = 	snop  }
__scs_overlays_trampoline_lowered:
0x8: {  	[smem:$0x3FA6] =	sst s0  }
0x9: {  	[smem:$0x3FA7] =	sst s1  }
0xa: {  	[smem:$0x3FA8] =	sst s2  }
0xb: {  	[smem:$0x3FA9] =	sst s3  }
0xc: {  	[smem:$0x3FAA] =	sst s4  }
0xd: {  	[smem:$0x3FAB] =	sst s5  }
0xe: {  	[smem:$0x3FAC] =	sst s6  }
0xf: {  	[smem:$0x3FAD] =	sst s7  }
0x10: {  	[smem:$0x3FAE] =	sst s8  }
0x11: {  	[smem:$0x3FAF] =	sst s9;
	s0 =	simm.s32 @!p0 $0x0  }
0x12: {  	s1 =	sld [smem:$0x3F95];
	s0 =	simm.s32 @p0 $0x1  }
0x13: {  	[smem:$0x3FB0] =	sst s0;
	s0 =	simm.s32 @!p1 $0x0  }
0x14: {  	s2 =	sld [smem:$0x3F94];
	s0 =	simm.s32 @p1 $0x1  }
0x15: {  	[smem:$0x3FB1] =	sst s0;
	s0 =	simm.s32 @!p2 $0x0  }
0x16: {  	s3 =	sld [smem:$0x3FDB];
	s0 =	simm.s32 @p2 $0x1  }
0x17: {  	s4 =	simm.s32 $0x1BF5;
	[smem:$0x3FB3] =	sst s0  }
0x18: {  	s0 =	sld [smem:$0x3F96];
	_ =	swait.ge [sflag:s4], $0x0  }
0x19: {  	s7 =	sld [smem:$0x3F97]  }
0x1a: {  	s8 =	sadd.s32 $0xFFFFE003, lr  }
0x1b: {  	s9 =	sadd.s32 $0xFFFFFEF7, lr;
	s5 =	simm.s32 $0xFFFFFFFF;
	p2 =	slt.u32 s8, $0xFFFFF086  }
0x1c: {  	p1 =	slt.u32 s9, $0xF7A;
	s5 =	simm.s32 @!p2 $0x0  }
0x1d: {  	s5 =	simm.s32 @p1 $0x1;
	p0 =	seq.s32 s7, s2  }
0x1e: {  	s7 =	smul.u32 @!p0 $0xF7A, s2;
	p2 =	seq.s32 @!p0 s5, $0x0  }
0x1f: {  	s9 =	smul.u32 $0xF7A, s1;
	s8 =	simm.s32 @!p0 $0x1BF5;
	p2 =	por !p2, p0  }
0x20: {  	[sflag:s8] =	ssyncset.s32 @!p0 $0xFFFFF086;
	s6 =	sadd.s32 @!p0 s3, s7;
	s7 =	simm.s32 @!p0 $0x108  }
0x21: {  	s3 =	sadd.s32 s3, s9;
	s6 =	sadd.s32 @!p0 $0x88, s6;
	s7 =	simm.s32 @p2 $0x1082  }
0x22: {  	[simem:s7], [sflag:s8] =	dma.local @!p0 [hbm:s6], $0xF7A  }
0x23: {  	s9 =	sor.u32 $0xD0000000, s2;
	s6 =	simm.s32 $0x108;
	_ =	swait.ge @!p0 [sflag:s8], $0x0  }
0x24: {  	s3 =	sadd.s32 $0x88, s3;
	s6 =	simm.s32 @!p1 $0x1082;
	[sflag:s4] =	ssyncset.s32 $0xFFFFF086  }
0x25: {  	[simem:s6], [sflag:s4] =	dma.local [hbm:s3], $0xF7A  }
0x26: {  	[smem:$0x3F97] =	sst s1;
	(tag) =	ssettag s2;
	_ =	strace s9  }
0x27: {  	s1 =	sld [smem:$0x3FA7]  }
0x28: {  	s2 =	sld [smem:$0x3FA8]  }
0x29: {  	s4 =	sld [smem:$0x3FAA]  }
0x2a: {  	p0 =	seq.s32 s5, $0x0;
	s5 =	sld [smem:$0x3FAB]  }
0x2b: {  	s6 =	sld [smem:$0x3FAC]  }
0x2c: {  	s7 =	sld [smem:$0x3FAD]  }
0x2d: {  	s3 =	simm.s32 $0x108;
	s8 =	sld [smem:$0x3FAE]  }
0x2e: {  	s3 =	simm.s32 @!p0 $0x1082;
	s9 =	sld [smem:$0x3FAF]  }
0x2f: {  	lr =	sadd.s32 s0, s3;
	s0 =	sld [smem:$0x3FA6]  }
0x30: {  	s3 =	sld [smem:$0x3FA9]  }
0x31: {  	[smem:$0x3FB2] =	sst s10  }
0x32: {  	s10 =	sld [smem:$0x3FB0];
	_ =	sdelay $0x3  }
0x33: {  	p0 =	seq.s32 s10, $0x1;
	s10 =	sld [smem:$0x3FB2];
	_ =	sdelay $0x3  }
0x34: {  	[smem:$0x3FB2] =	sst s10  }
0x35: {  	s10 =	sld [smem:$0x3FB1];
	_ =	sdelay $0x3  }
0x36: {  	p1 =	seq.s32 s10, $0x1;
	s10 =	sld [smem:$0x3FB2];
	_ =	sdelay $0x3  }
0x37: {  	[smem:$0x3FB2] =	sst s10  }
0x38: {  	s10 =	sld [smem:$0x3FB3]  }
0x39: {  	_ = 	snop;
	(pc) =	sbr.ind lr, $3  }
0x3a: {  	_ = 	snop  }
0x3b: {  	_ = 	snop  }
0x3c: {  	p2 =	seq.s32 s10, $0x1;
	s10 =	sld [smem:$0x3FB2]  }
0x3d: {  	_ =	shalt  }
0x3e: {  	_ =	shalt  }
0x3f: {  	_ =	shalt  }
0x40: {  	_ =	shalt  }
0x41: {  	_ =	shalt  }
0x42: {  	_ =	shalt  }
0x43: {  	_ =	shalt  }
0x44: {  	_ =	shalt  }
0x45: {  	_ =	shalt  }
0x46: {  	_ =	shalt  }
0x47: {  	_ =	shalt  }
0x48: {  	_ =	shalt  }
0x49: {  	_ =	shalt  }
0x4a: {  	_ =	shalt  }
0x4b: {  	_ =	shalt  }
0x4c: {  	_ =	shalt  }
0x4d: {  	_ =	shalt  }
0x4e: {  	_ =	shalt  }
0x4f: {  	_ =	shalt  }
0x50: {  	_ =	shalt  }
0x51: {  	_ =	shalt  }
0x52: {  	_ =	shalt  }
0x53: {  	_ =	shalt  }
0x54: {  	_ =	shalt  }
0x55: {  	_ =	shalt  }
0x56: {  	_ =	shalt  }
0x57: {  	_ =	shalt  }
0x58: {  	_ =	shalt  }
0x59: {  	_ =	shalt  }
0x5a: {  	_ =	shalt  }
0x5b: {  	_ =	shalt  }
0x5c: {  	_ =	shalt  }
0x5d: {  	_ =	shalt  }
0x5e: {  	_ =	shalt  }
0x5f: {  	_ =	shalt  }
0x60: {  	_ =	shalt  }
0x61: {  	_ =	shalt  }
0x62: {  	_ =	shalt  }
0x63: {  	_ =	shalt  }
0x64: {  	_ =	shalt  }
0x65: {  	_ =	shalt  }
0x66: {  	_ =	shalt  }
0x67: {  	_ =	shalt  }
0x68: {  	_ =	shalt  }
0x69: {  	_ =	shalt  }
0x6a: {  	_ =	shalt  }
0x6b: {  	_ =	shalt  }
0x6c: {  	_ =	shalt  }
0x6d: {  	_ =	shalt  }
0x6e: {  	_ =	shalt  }
0x6f: {  	_ =	shalt  }
0x70: {  	_ =	shalt  }
0x71: {  	_ =	shalt  }
0x72: {  	_ =	shalt  }
0x73: {  	_ =	shalt  }
0x74: {  	_ =	shalt  }
0x75: {  	_ =	shalt  }
0x76: {  	_ =	shalt  }
0x77: {  	_ =	shalt  }
0x78: {  	_ =	shalt  }
0x79: {  	_ =	shalt  }
0x7a: {  	_ =	shalt  }
0x7b: {  	_ =	shalt  }
0x7c: {  	_ =	shalt  }
0x7d: {  	_ =	shalt  }
0x7e: {  	_ =	shalt  }
0x7f: {  	_ =	shalt  }
0x80: {  	_ =	shalt  }
0x81: {  	_ =	shalt  }
0x82: {  	_ =	shalt  }
0x83: {  	_ =	shalt  }
0x84: {  	_ =	shalt  }
0x85: {  	_ =	shalt  }
0x86: {  	_ =	shalt  }
0x87: {  	_ =	shalt  }
.Lfunc_end0:
.L_simem_size_0:
called_computation_lowered:
.L_overlay_start_0:
0x88: {  	s2 =	sld [smem:$0x3FD9]  }
0x89: {  	s3 =	sld [smem:$0x3FFE];
	_ =	sdelay $0x1  }
0x8a: {  	s1 =	srdreg.scid  }
0x8b: {  	s0 =	sand.u32 $0x1, s1  }
0x8c: {  	s16 =	sshll.u32 s0, $0xA;
	s2 =	sadd.s32 s3, s2  }
0x8d: {  	s2 =	sadd.s32 s2, s16  }
0x8e: {  	[smem:$0x3FBE] =	sst s2  }
0x8f: {  	_ = 	snop  }
0x90: {  	(tm) =	ssettm $0x1  }
0x91: {  	s17 =	sld [smem:$0x3FFB];
	_ =	sdelay $0x3  }
0x92: {  	_ =	strace s17  }
0x93: {  	s2 =	sld [smem:$0x3FFC];
	_ =	sdelay $0x3  }
0x94: {  	_ =	strace s2  }
0x95: {  	s2 =	sld [smem:$0x3FFD];
	_ =	sdelay $0x3  }
0x96: {  	_ =	strace s2  }
0x97: {  	_ =	strace $0x8FFFFFFF  }
0x98: {  	s18 =	sld [smem:$0x3FDB];
	_ =	sdelay $0x1  }
0x99: {  	s19 =	simm.s32 $_scs_section_size  }
0x9a: {  	s4 =	simm.s32 $_size__tile_overlayer_lowered;
	s5 =	simm.s32 $_tile_overlayer_lowered  }
0x9b: {  	s22 =	simm.s32 $0x1BFF;
	s21 =	sshll.u32 s5, $0x1;
	s2 =	sadd.s32 s19, s18  }
0x9c: {  	s6 =	simm.s32 $0x0;
	s20 =	sshll.u32 s4, $0x1;
	s4 =	sadd.s32 s21, s2  }
0x9d: {  	[timem:s6], [sflag:s22] =	dma.local [hbm:s4], s20  }
0x9e: {  	_ =	swait.ge [sflag:s22], s20  }
0x9f: {  	s3 =	ssub.s32 $0x0, s20;
	[sflag:s22] =	ssyncset.done $0x0  }
0xa0: {  	[sflag:s22] =	ssyncadd.s32 s3;
	_ =	sdelay $0x1  }
0xa1: {  	s23 =	simm.s32 $0x1B8B  }
0xa2: {  	_ =	swait.ge [sflag:s23], $0x1  }
0xa3: {  	[sflag:s23] =	ssyncset.done $0x0  }
0xa4: {  	s25 =	simm.s32 $0x1B8E;
	s24 =	sld [smem:$0x3FFE];
	[sflag:s23] =	ssyncadd.s32 $0xFFFFFFFF  }
0xa5: {  	s26 =	simm.s32 $execute0_lowered;
	[smem:$0x3FD2] =	sst s25  }
0xa6: {  	s4 =	sshll.u32 s26, $0x1;
	_ =	strace $0x80000046;
	[dreg:$0x1] =	wrdreg $0xFFFFFFFF  }
0xa7: {  	s28 =	simm.s32 $_size_execute0_lowered;
	s2 =	sadd.s32 s2, s4;
	[dreg:$0x0] =	wrdreg $0x0  }
0xa8: {  	s4 =	sshll.u32 s28, $0x1;
	[dreg:$0x2] =	wrdreg s2  }
0xa9: {  	[dreg:$0x3] =	wrdreg s4  }
0xaa: {  	[dreg:$0x4] =	wrdreg $0xC0  }
0xab: {  	_ =	task [dreg:s6], $0x5FFFF  }
0xac: {  	[dreg:$0x1] =	wrdreg $0xFFFFFFFF  }
0xad: {  	[dreg:$0x0] =	wrdreg $0x60  }
0xae: {  	[dreg:$0x2] =	wrdreg s24  }
0xaf: {  	[dreg:$0x3] =	wrdreg $0x0  }
0xb0: {  	[dreg:$0x4] =	wrdreg $0x9  }
0xb1: {  	_ =	task.clear_ibuf [dreg:s6], $0x5FFFF;
	_ =	strace $0x90000046  }
0xb2: {  	s29 =	simm.s32 $0x9;
	_ =	strace $0x80000048  }
0xb3: {  	_ =	swait.ge [sflag:s29], $0x1  }
0xb4: {  	[sflag:s29] =	ssyncadd.s32 $0xFFFFFFFF  }
0xb5: {  	_ =	strace $0x90000048  }
0xb6: {  	_ =	sfence  }
0xb7: {  	s30 =	sld [smem:$0x0];
	_ =	sdelay $0x2  }
0xb8: {  	s31 =	sshll.u32 s1, $0xD;
	s1 =	sshrl.u32 s1, $0x2  }
0xb9: {  	s3 =	sand.u32 $0x4000, s31;
	s1 =	sadd.s32 s1, s30  }
0xba: {  	s0 =	sor.u32 s3, s0;
	s1 =	sshll.u32 s1, $0x11  }
0xbb: {  	s0 =	sor.u32 s1, s0  }
0xbc: {  	s0 =	sadd.s32 $0x8F2B, s0  }
0xbd: {  	[sflag:s0] =	ssyncadd.remote.s32 $0x1  }
0xbe: {  	_ =	sfence.sel $0xFFFF  }
0xbf: {  	[dreg:$0x0] =	wrdreg $0xFFFFFFFF;
	(pc) =	sbr.abs _section_cstart, $3  }
0xc0: {  	[dreg:$0x1] =	wrdreg $0xFFFFFFFF  }
0xc1: {  	_ =	task.clear_ibuf [dreg:s6], $0x2FFFF;
	_ =	strace $0x9FFFFFFF  }
0xc2: {  	(tm) =	ssettm $0x7FFFFFFF  }
0xc3: {  	_ =	shalt  }
tec
execute0_lowered:
.L_overlay_start_1:
0x0: {  	(tag) =	ssettag $0x1  }
0x1: {  	s8 =	rddreg [dreg:$0x0]  }
0x2: {  	s1 =	rddreg [dreg:$0x1]  }
0x3: {  	s0 =	rddreg [dreg:$0x2];
	s2 =	simm.s32 $0x0  }
0x4: {  	s5 =	srdreg.scid;
	s3 =	stileid.u32;
	s14 =	simm.s32 $0x2  }
0x5: {  	[smem:$0x7FF] =	sst s2;
	s4 =	sadd.s32 $0xCC00, s8;
	s20 =	sand.u32 $0x1, s5  }
0x6: {  	s5 =	sadd.s32 $0x2A00, s8;
	s9 =	sshll.u32 s3, $0x2;
	s6 =	sadd.s32 $0x65E00, s8  }
0x7: {  	s7 =	sadd.s32 $0x16E00, s8;
	s31 =	sshll.u32 s3, $0x9;
	s10 =	smul.u32 $0x27800, s20  }
0x8: {  	_ =	strace $0x80000047;
	s11 =	sadd.s32 s9, s8;
	s9 =	smul.u32 $0x50C0, s3  }
0x9: {  	s30 =	ssub.s32 $0x2, s20;
	s15 =	sshll.u32 s20, $0x2;
	s16 =	smul.u32 $0x2780, s20  }
0xa: {  	s19 =	sshllo.u32 s20, $0x2;
	p0 =	sne.s32 s20, $0x0;
	s13 =	sshrl.u32 s30, $0x1  }
0xb: {  	s17 =	sor.u32 $0x1, s15;
	s18 =	sor.u32 $0x2, s15;
	s11 =	sadd.s32 $0x8D600, s11  }
0xc: {  	v1 =	vmov s15;
	s15 =	simm.s32 $0x13C80;
	v4 =	vmov s19;
	s19 =	simm.s32 $0x17D00;
	s12 =	sadd.s32 s10, s8  }
0xd: {  	s8 =	sadd.s32 $0x8DC00, s8;
	s10 =	ssub.s32 s30, s13;
	s13 =	simm.s32 $0x13C00  }
0xe: {  	v0 =	vmov s16;
	v2 =	vmov s17;
	s16 =	simm.s32 $0x40;
	s17 =	simm.s32 $0x15D00;
	s12 =	sadd.s32 s31, s12  }
0xf: {  	v5 =	vimm.f32 $0.0e+00;
	v3 =	vmov s18;
	s18 =	simm.s32 $0x19D00;
	s10 =	smax.u32 s10, $0x1;
	s12 =	sadd.s32 $0x599C00, s12  }
.LBB2_1:
0x10: {  	s20 =	simm.s32 $0x0;
	s21 =	simm.s32 $0x200  }
.LBB2_2:
0x11: {  	p1 =	sne.s32 s21, $0x3E00;
	[tilespmem:s20+$0x1BD70] =	vst v5  }
0x12: {  	[tilespmem:s20+$0x1BD00] =	vst v5  }
0x13: {  	[tilespmem:s20+$0x1BD10] =	vst v5  }
.Ltmp0:
0x14: {  	[tilespmem:s20+$0x1BD20] =	vst v5;
	(pc) =	sbr.rel @p1 .LBB2_2-.Ltmp0, $4  }
0x15: {  	[tilespmem:s20+$0x1BD30] =	vst v5  }
0x16: {  	[tilespmem:s20+$0x1BD40] =	vst v5  }
0x17: {  	[tilespmem:s20+$0x1BD50] =	vst v5  }
0x18: {  	[tilespmem:s20+$0x1BD60] =	vst v5;
	s20 =	sshra.s32 s21, $0x2;
	s21 =	sadd.s32 $0x200, s21  }
0x19: {  	[tilespmem:s20+$0x1BD70] =	vst v5  }
0x1a: {  	[tilespmem:s20+$0x1BD00] =	vst v5  }
0x1b: {  	[tilespmem:s20+$0x1BD10] =	vst v5  }
0x1c: {  	[tilespmem:s20+$0x1BD20] =	vst v5  }
0x1d: {  	[tilespmem:s20+$0x1BD30] =	vst v5;
	s21 =	sadd.s32 $0x0, s3  }
0x1e: {  	[tilespmem:s20+$0x1BD40] =	vst v5;
	p2 =	sgt.u32 s21, $0x13B  }
0x1f: {  	[tilespmem:s20+$0x1BD50] =	vst v5;
	p1 =	por p2, p2  }
0x20: {  	[tilespmem:s20+$0x1BD60] =	vst v5;
	s20 =	simm.s32 @!p2 $0x0;
	s21 =	simm.s32 @!p2 $0x1CD00;
	s22 =	simm.s32 @!p1 $0x2  }
0x21: {  	[tilespmem:s21], [sflag:$0x2] =	stream.linear.gather @!p1 [hbm4b:s11+s20], $0x20, $0x38;
	[tilespmem:$0x1CD80] =	vst v63  }
0x22: {  	_ =	swait.ge @!p1 [sflag:s22], $0x20  }
0x23: {  	s31 =	sadd.s32 $0x10, s3;
	[sflag:s22] =	ssyncset.done @!p1 $0x0  }
0x24: {  	s20 =	simm.s32 @!p1 $0x20;
	[sflag:s22] =	ssyncadd.s32 @!p1 $0xFFFFFFE0;
	s22 =	simm.s32 @!p1 $0x1BD00  }
0x25: {  	[spmem:s1] =	stream.indirect.scatter @!p1 [tilespmem:s22], [sflag:$0x1], $0x80, s21, s20, $0xb8;
	[tilespmem:$0x1CD80] =	vst v63  }
0x26: {  	p2 =	sgt.u32 s31, $0x13B;
	s22 =	simm.s32 @!p1 $0x1  }
0x27: {  	s21 =	simm.s32 $0x20;
	s20 =	sadd.s32 $0x40, s11;
	_ =	swait.ge @!p1 [sflag:s22], $0x1000  }
.LBB2_4:
0x28: {  	s23 =	simm.s32 @!p2 $0x0  }
0x29: {  	s24 =	simm.s32 @!p2 $0x1CD00;
	[sflag:s22] =	ssyncset.done @!p1 $0x0;
	s25 =	smov.u32 s21  }
0x2a: {  	p3 =	por p1, p1;
	p1 =	por p2, p2;
	s21 =	sadd.s32 $0x10, s21  }
0x2b: {  	s26 =	simm.s32 @!p1 $0x2;
	[sflag:s22] =	ssyncadd.s32 @!p3 $0xFFFFF000;
	p3 =	sne.s32 s21, $0x140  }
0x2c: {  	[tilespmem:s24], [sflag:$0x2] =	stream.linear.gather @!p1 [hbm4b:s20+s23], $0x20, $0x38;
	[tilespmem:$0x1CD80] =	vst v63  }
.Ltmp1:
0x2d: {  	_ =	swait.ge @!p1 [sflag:s26], $0x20;
	(pc) =	sbr.rel @p3 .LBB2_4-.Ltmp1, $4  }
0x2e: {  	s22 =	simm.s32 @!p1 $0x1;
	s23 =	sadd.s32 s25, s3;
	[sflag:s26] =	ssyncset.done @!p1 $0x0  }
0x2f: {  	s25 =	simm.s32 @!p1 $0x20;
	[sflag:s26] =	ssyncadd.s32 @!p1 $0xFFFFFFE0;
	s26 =	simm.s32 @!p1 $0x1BD00  }
0x30: {  	[spmem:s1] =	stream.indirect.scatter @!p1 [tilespmem:s26], [sflag:$0x1], $0x80, s24, s25, $0xb8;
	[tilespmem:$0x1CD80] =	vst v63  }
0x31: {  	s20 =	sadd.s32 $0x40, s20;
	p2 =	sgt.u32 s23, $0x13B;
	_ =	swait.ge @!p1 [sflag:s22], $0x1000  }
0x32: {  	s21 =	simm.s32 @!p2 $0x0  }
0x33: {  	[sflag:s22] =	ssyncset.done @!p1 $0x0;
	p1 =	por p1, p1;
	p3 =	por p2, p2  }
0x34: {  	s23 =	simm.s32 @!p2 $0x1CD00;
	s24 =	simm.s32 @!p3 $0x2;
	[sflag:s22] =	ssyncadd.s32 @!p1 $0xFFFFF000  }
0x35: {  	[tilespmem:s23], [sflag:$0x2] =	stream.linear.gather @!p3 [hbm4b:s20+s21], $0x20, $0x38;
	[tilespmem:$0x1CD80] =	vst v63  }
0x36: {  	_ =	swait.ge @!p3 [sflag:s24], $0x20  }
0x37: {  	s22 =	simm.s32 @!p3 $0x1BD00;
	[sflag:s24] =	ssyncset.done @!p3 $0x0  }
0x38: {  	s20 =	simm.s32 @!p3 $0x1;
	s21 =	simm.s32 @!p3 $0x20;
	[sflag:s24] =	ssyncadd.s32 @!p3 $0xFFFFFFE0  }
0x39: {  	[spmem:s1] =	stream.indirect.scatter @!p3 [tilespmem:s22], [sflag:$0x1], $0x80, s23, s21, $0xb8;
	[tilespmem:$0x1CD80] =	vst v63  }
0x3a: {  	_ =	swait.ge @!p3 [sflag:s20], $0x1000  }
0x3b: {  	p1 =	por p3, p3;
	[sflag:s20] =	ssyncset.done @!p3 $0x0  }
0x3c: {  	[sflag:s20] =	ssyncadd.s32 @!p1 $0xFFFFF000  }
0x3d: {  	s21 =	simm.s32 $0x0;
	s20 =	simm.s32 $0x0;
	[bflag:$0x0] =	sbarrier.arrive $0xFFFF  }
.LBB2_6:
0x3e: {  	s22 =	sshll.u32 s21, $0x6  }
0x3f: {  	s22 =	sadd.s32 s9, s22  }
0x40: {  	s23 =	sshrl.u32 s22, $0x3  }
0x41: {  	s24 =	sadd.s32 s4, s23  }
0x42: {  	[tilespmem:s13], [sflag:$0x2] =	stream.linear.gather [hbm4b:s24+s20], $0x40, $0x38;
	[tilespmem:$0x1CD80] =	vst v63  }
0x43: {  	_ =	swait.ge [sflag:s14], $0x40  }
0x44: {  	[sflag:s14] =	ssyncset.done $0x0  }
0x45: {  	s23 =	sadd.s32 s5, s23;
	[sflag:s14] =	ssyncadd.s32 $0xFFFFFFC0  }
0x46: {  	[tilespmem:s15], [sflag:$0x2] =	stream.linear.gather [hbm4b:s23+s20], $0x40, $0x38;
	[tilespmem:$0x1CD80] =	vst v63  }
0x47: {  	_ =	swait.ge [sflag:s14], $0x40  }
0x48: {  	[sflag:s14] =	ssyncset.done $0x0  }
0x49: {  	s23 =	simm.s32 $0x13D00;
	[sflag:s14] =	ssyncadd.s32 $0xFFFFFFC0  }
0x4a: {  	[tilespmem:s23], [sflag:$0x2] =	stream.indirect.gather [hbm4b:s6+s16], $0x80, s13, s16, $0xb8;
	[tilespmem:$0x1CD80] =	vst v63  }
0x4b: {  	_ =	swait.ge [sflag:s14], $0x2000  }
0x4c: {  	[sflag:s14] =	ssyncset.done $0x0  }
0x4d: {  	[sflag:s14] =	ssyncadd.s32 $0xFFFFE000  }
0x4e: {  	[tilespmem:s17], [sflag:$0x2] =	stream.indirect.gather [hbm4b:s6+s16], $0x80, s15, s16, $0xb8;
	[tilespmem:$0x1CD80] =	vst v63  }
0x4f: {  	_ =	swait.ge [sflag:s14], $0x2000  }
0x50: {  	[sflag:s14] =	ssyncset.done $0x0  }
0x51: {  	[sflag:s14] =	ssyncadd.s32 $0xFFFFE000  }
0x52: {  	v6 =	vld [tilespmem:$0x13C00]  }
0x53: {  	v7 =	vld [tilespmem:$0x13C10]  }
0x54: {  	v8 =	vld [tilespmem:$0x13C20]  }
0x55: {  	v9 =	vld [tilespmem:$0x13C30];
	_ =	sdelay $0x1  }
0x56: {  	v6 =	vadd.s32 v0, v6  }
0x57: {  	[tilespmem:$0x13C00] =	vst v6;
	v6 =	vadd.s32 v0, v7  }
0x58: {  	[tilespmem:$0x13C10] =	vst v6;
	v6 =	vadd.s32 v0, v8  }
0x59: {  	[tilespmem:$0x13C20] =	vst v6;
	v6 =	vadd.s32 v0, v9  }
0x5a: {  	[tilespmem:$0x13C30] =	vst v6  }
0x5b: {  	[tilespmem:s18], [sflag:$0x2] =	stream.indirect.gather [hbm4b:s7+s16], $0x80, s13, s16, $0xb8;
	[tilespmem:$0x1CD80] =	vst v63  }
0x5c: {  	_ =	swait.ge [sflag:s14], $0x2000  }
0x5d: {  	[sflag:s14] =	ssyncset.done $0x0  }
0x5e: {  	s24 =	simm.s32 $0x15D10;
	[sflag:s14] =	ssyncadd.s32 $0xFFFFE000  }
0x5f: {  	v6 =	vld [tilespmem:s24+$0x0]  }
0x60: {  	v7 =	vld [tilespmem:s23+$0x0];
	_ =	sdelay $0x4  }
0x61: {  	v6 =	vadd.f32 v6, v7;
	_ =	sdelay $0x1  }
0x62: {  	v7 =	vmul.f32 $2.000000030e-01, v6;
	_ =	sdelay $0x1  }
0x63: {  	v6 =	vmax.f32 v6, v7  }
0x64: {  	v6 =	vmul.f32 $1.442695020e+00, v6;
	_ =	sdelay $0x1  }
0x65: {  	(erf) = vpow2.f32 v6;
	_ =	sdelay $0x2  }
0x66: {  	s26 =	simm.s32 $0x0  }
0x67: {  	v6 =	vor.u32 s26, v1  }
0x68: {  	v6 =	vbroadcast v6, $0x0;
	_ =	sdelay $0x3  }
0x69: {  	s25 =	simm.s32 $0x17D00;
	v7 =	vpop (erf)  }
0x6a: {  	[tilespmem:s25+$0x0] =	vst v7  }
0x6b: {  	s25 =	simm.s32 $0x19D40;
	v6 =	vld.idx.msk [tilespmem:v6+s19+$0x0], $0xffff  }
0x6c: {  	v7 =	vld [tilespmem:s25+$0xFFFFFFC0]  }
0x6d: {  	v8 =	vld [tilespmem:s25+$0xFFFFFFD0]  }
0x6e: {  	v9 =	vor.u32 s26, v2  }
0x6f: {  	v9 =	vbroadcast v9, $0x0;
	_ =	sdelay $0x1  }
0x70: {  	v7 =	vmul.f32 v7, v6  }
0x71: {  	v6 =	vmul.f32 v8, v6  }
0x72: {  	[tilespmem:s25+$0xFFFFFFC0] =	vst v7  }
0x73: {  	[tilespmem:s25+$0xFFFFFFD0] =	vst v6;
	v7 =	vld [tilespmem:s25+$0xFFFFFFE0]  }
0x74: {  	v6 =	vld.idx.msk [tilespmem:v9+s19+$0x0], $0xffff  }
0x75: {  	v8 =	vld [tilespmem:s25+$0xFFFFFFF0]  }
0x76: {  	v9 =	vor.u32 s26, v3  }
0x77: {  	v9 =	vbroadcast v9, $0x0;
	_ =	sdelay $0x1  }
0x78: {  	v7 =	vmul.f32 v7, v6  }
0x79: {  	v6 =	vmul.f32 v8, v6  }
0x7a: {  	[tilespmem:s25+$0xFFFFFFE0] =	vst v7  }
0x7b: {  	[tilespmem:s25+$0xFFFFFFF0] =	vst v6;
	v6 =	vld [tilespmem:s25+$0x10]  }
0x7c: {  	v8 =	vld.idx.msk [tilespmem:v9+s19+$0x0], $0xffff  }
0x7d: {  	v9 =	vld [tilespmem:s25+$0x0];
	_ =	sdelay $0x1  }
0x7e: {  	v7 =	vor.u32 s26, v4  }
0x7f: {  	s28 =	simm.s32 $0x1;
	s29 =	simm.s32 $0x17D80;
	s26 =	simm.s32 $0x19D40;
	v7 =	vbroadcast v7, $0x0  }
.LBB2_7:
0x80: {  	s24 =	sadd.s32 $0x80, s24;
	s25 =	sadd.s32 $0x80, s25;
	s23 =	sadd.s32 $0x80, s23  }
0x81: {  	p1 =	sne.s32 s28, $0x3F;
	v6 =	vmul.f32 v6, v8;
	s30 =	smov.u32 s28;
	s28 =	sadd.s32 $0x1, s28;
	v9 =	vmul.f32 v9, v8  }
0x82: {  	_ = 	snop  }
0x83: {  	[tilespmem:s26+$0x0] =	vst v9  }
0x84: {  	[tilespmem:s26+$0x10] =	vst v6;
	v6 =	vld [tilespmem:s26+$0x30]  }
0x85: {  	v7 =	vld.idx.msk [tilespmem:v7+s19+$0x0], $0xffff  }
0x86: {  	v8 =	vld [tilespmem:s26+$0x20];
	_ =	sdelay $0x4  }
0x87: {  	v6 =	vmul.f32 v6, v7;
	v8 =	vmul.f32 v8, v7;
	_ =	sdelay $0x1  }
0x88: {  	[tilespmem:s26+$0x20] =	vst v8  }
0x89: {  	[tilespmem:s26+$0x30] =	vst v6;
	s26 =	smov.u32 s25  }
0x8a: {  	v6 =	vld [tilespmem:s24+$0x0]  }
0x8b: {  	v7 =	vld [tilespmem:s23+$0x0];
	_ =	sdelay $0x4  }
0x8c: {  	v6 =	vadd.f32 v6, v7;
	_ =	sdelay $0x1  }
0x8d: {  	v7 =	vmul.f32 $2.000000030e-01, v6;
	_ =	sdelay $0x1  }
0x8e: {  	v6 =	vmax.f32 v6, v7  }
0x8f: {  	v6 =	vmul.f32 $1.442695020e+00, v6;
	_ =	sdelay $0x1  }
0x90: {  	(erf) = vpow2.f32 v6;
	_ =	sdelay $0x2  }
0x91: {  	s30 =	sshll.u32 s30, $0x7  }
0x92: {  	v10 =	vor.u32 s30, v4;
	v7 =	vor.u32 s30, v3;
	v6 =	vor.u32 s30, v1  }
0x93: {  	v6 =	vbroadcast v6, $0x0;
	_ =	sdelay $0x3  }
0x94: {  	v8 =	vpop (erf)  }
0x95: {  	[tilespmem:s29+$0x0] =	vst v8  }
0x96: {  	v6 =	vld.idx.msk [tilespmem:v6+s19+$0x0], $0xffff  }
0x97: {  	v8 =	vld [tilespmem:s25+$0xFFFFFFC0]  }
0x98: {  	v9 =	vld [tilespmem:s25+$0xFFFFFFD0]  }
0x99: {  	v11 =	vor.u32 s30, v2  }
0x9a: {  	v11 =	vbroadcast v11, $0x0;
	_ =	sdelay $0x1  }
0x9b: {  	v8 =	vmul.f32 v8, v6  }
0x9c: {  	v6 =	vmul.f32 v9, v6  }
0x9d: {  	[tilespmem:s25+$0xFFFFFFC0] =	vst v8  }
0x9e: {  	[tilespmem:s25+$0xFFFFFFD0] =	vst v6;
	v6 =	vld [tilespmem:s25+$0xFFFFFFF0]  }
0x9f: {  	v8 =	vld.idx.msk [tilespmem:v11+s19+$0x0], $0xffff  }
0xa0: {  	v9 =	vld [tilespmem:s25+$0xFFFFFFE0];
	_ =	sdelay $0x2  }
0xa1: {  	v7 =	vbroadcast v7, $0x0;
	_ =	sdelay $0x1  }
0xa2: {  	v6 =	vmul.f32 v6, v8;
	v9 =	vmul.f32 v9, v8;
	_ =	sdelay $0x1  }
0xa3: {  	[tilespmem:s25+$0xFFFFFFE0] =	vst v9  }
0xa4: {  	[tilespmem:s25+$0xFFFFFFF0] =	vst v6;
	v6 =	vld [tilespmem:s25+$0x10]  }
.Ltmp2:
0xa5: {  	v8 =	vld.idx.msk [tilespmem:v7+s19+$0x0], $0xffff;
	(pc) =	sbr.rel @p1 .LBB2_7-.Ltmp2, $2  }
0xa6: {  	v9 =	vld [tilespmem:s25+$0x0];
	_ =	sdelay $0x2  }
0xa7: {  	s29 =	sadd.s32 $0x80, s29;
	v7 =	vbroadcast v10, $0x0  }
0xa8: {  	_ = 	snop  }
0xa9: {  	v6 =	vmul.f32 v6, v8  }
0xaa: {  	v9 =	vmul.f32 v9, v8  }
0xab: {  	[tilespmem:s26+$0x10] =	vst v6  }
0xac: {  	[tilespmem:s26+$0x0] =	vst v9  }
0xad: {  	v6 =	vld.idx.msk [tilespmem:v7+s19+$0x0], $0xffff  }
0xae: {  	v7 =	vld [tilespmem:s26+$0x20]  }
0xaf: {  	v63 =	vld [tilespmem:s26+$0x30];
	_ =	sdelay $0x3  }
0xb0: {  	v7 =	vmul.f32 v7, v6  }
0xb1: {  	v6 =	vmul.f32 v63, v6  }
0xb2: {  	[tilespmem:s26+$0x20] =	vst v7  }
0xb3: {  	[tilespmem:s26+$0x30] =	vst v6  }
0xb4: {  	[spmem:s1] =	stream.indirect.scatter.add.f32 [tilespmem:s18], [sflag:$0x2], $0x80, s15, s16, $0xb8;
	[tilespmem:$0x1CD80] =	vst v63  }
0xb5: {  	s22 =	sshll.u32 @!p0 s22, $0x4;
	s23 =	simm.s32 @!p0 $0x0;
	_ =	swait.ge [sflag:s14], $0x2000  }
0xb6: {  	s24 =	simm.s32 @!p0 $0x17D00;
	s21 =	sadd.s32 $0x1, s21;
	[sflag:s14] =	ssyncset.done $0x0  }
0xb7: {  	s22 =	sadd.s32 @!p0 s8, s22;
	p1 =	sne.s32 s21, $0x143;
	[sflag:s14] =	ssyncadd.s32 $0xFFFFE000  }
0xb8: {  	[hbm4b:s22+s23] =	stream.linear.scatter @!p0 [tilespmem:s24], [sflag:$0x1], $0x2000, $0x38;
	[tilespmem:$0x1CD80] =	vst v63  }
.Ltmp3:
0xb9: {  	_ = 	snop;
	(pc) =	sbr.rel @p1 .LBB2_6-.Ltmp3, $4  }
0xba: {  	s22 =	simm.s32 @!p0 $0x1  }
0xbb: {  	_ =	swait.ge @!p0 [sflag:s22], $0x2000  }
0xbc: {  	[sflag:s22] =	ssyncset.done @!p0 $0x0  }
0xbd: {  	[sflag:s22] =	ssyncadd.s32 @!p0 $0xFFFFE000  }
0xbe: {  	s20 =	sadd.s32 $0x0, s3  }
0xbf: {  	[bflag:$0x0] =	sbarrier.arrive $0xFFFF;
	p1 =	sgt.u32 s20, $0x13B  }
0xc0: {  	s20 =	simm.s32 @!p1 $0x0;
	s21 =	simm.s32 @!p1 $0x1CD00;
	s22 =	simm.s32 @!p1 $0x2  }
0xc1: {  	[tilespmem:s21], [sflag:$0x2] =	stream.linear.gather @!p1 [hbm4b:s11+s20], $0x20, $0x38;
	[tilespmem:$0x1CD80] =	vst v63  }
0xc2: {  	_ =	swait.ge @!p1 [sflag:s22], $0x20;
	p1 =	por p1, p1  }
0xc3: {  	[sflag:s22] =	ssyncset.done @!p1 $0x0  }
0xc4: {  	s23 =	simm.s32 @!p1 $0x20;
	s24 =	simm.s32 @!p1 $0x1BD00;
	[sflag:s22] =	ssyncadd.s32 @!p1 $0xFFFFFFE0  }
0xc5: {  	[tilespmem:s24], [sflag:$0x2] =	stream.indirect.gather @!p1 [spmem:s1], $0x80, s21, s23, $0xb8;
	[tilespmem:$0x1CD80] =	vst v63  }
0xc6: {  	s31 =	sadd.s32 $0x10, s3;
	_ =	swait.ge @!p1 [sflag:s22], $0x1000  }
0xc7: {  	p2 =	sgt.u32 s31, $0x13B;
	[sflag:s22] =	ssyncset.done @!p1 $0x0  }
0xc8: {  	s21 =	simm.s32 $0x20;
	s23 =	simm.s32 @!p1 $0x1;
	[sflag:s22] =	ssyncadd.s32 @!p1 $0xFFFFF000  }
0xc9: {  	[hbm4b:s12+s20] =	stream.linear.scatter @!p1 [tilespmem:s24], [sflag:$0x1], $0x1000, $0x38;
	[tilespmem:$0x1CD80] =	vst v63  }
0xca: {  	s22 =	sadd.s32 $0x40, s11;
	s20 =	sadd.s32 $0x2000, s12;
	_ =	swait.ge @!p1 [sflag:s23], $0x1000  }
.LBB2_10:
0xcb: {  	s24 =	simm.s32 @!p2 $0x0;
	s25 =	simm.s32 @!p2 $0x1CD00  }
0xcc: {  	[sflag:s23] =	ssyncset.done @!p1 $0x0;
	s26 =	smov.u32 s21;
	s28 =	smov.u32 s20  }
0xcd: {  	s21 =	sadd.s32 $0x10, s21;
	s29 =	simm.s32 @!p2 $0x2;
	[sflag:s23] =	ssyncadd.s32 @!p1 $0xFFFFF000  }
0xce: {  	[tilespmem:s25], [sflag:$0x2] =	stream.linear.gather @!p2 [hbm4b:s22+s24], $0x20, $0x38;
	[tilespmem:$0x1CD80] =	vst v63  }
0xcf: {  	p3 =	sne.s32 s21, $0x140;
	p1 =	por p2, p2;
	_ =	swait.ge @!p2 [sflag:s29], $0x20  }
0xd0: {  	[sflag:s29] =	ssyncset.done @!p1 $0x0  }
0xd1: {  	s23 =	simm.s32 @!p1 $0x20;
	s30 =	simm.s32 @!p1 $0x1BD00;
	[sflag:s29] =	ssyncadd.s32 @!p1 $0xFFFFFFE0  }
0xd2: {  	[tilespmem:s30], [sflag:$0x2] =	stream.indirect.gather @!p1 [spmem:s1], $0x80, s25, s23, $0xb8;
	[tilespmem:$0x1CD80] =	vst v63  }
.Ltmp4:
0xd3: {  	_ =	swait.ge @!p1 [sflag:s29], $0x1000;
	(pc) =	sbr.rel @p3 .LBB2_10-.Ltmp4, $4  }
0xd4: {  	s20 =	sadd.s32 $0x2000, s20;
	[sflag:s29] =	ssyncset.done @!p1 $0x0  }
0xd5: {  	s25 =	sadd.s32 s26, s3;
	s23 =	simm.s32 @!p1 $0x1;
	[sflag:s29] =	ssyncadd.s32 @!p1 $0xFFFFF000  }
0xd6: {  	[hbm4b:s28+s24] =	stream.linear.scatter @!p1 [tilespmem:s30], [sflag:$0x1], $0x1000, $0x38;
	[tilespmem:$0x1CD80] =	vst v63  }
0xd7: {  	s22 =	sadd.s32 $0x40, s22;
	p2 =	sgt.u32 s25, $0x13B;
	_ =	swait.ge @!p1 [sflag:s23], $0x1000  }
0xd8: {  	s21 =	simm.s32 @!p2 $0x0;
	[sflag:s23] =	ssyncset.done @!p1 $0x0  }
0xd9: {  	s24 =	simm.s32 @!p2 $0x1CD00;
	s25 =	simm.s32 @!p2 $0x2;
	[sflag:s23] =	ssyncadd.s32 @!p1 $0xFFFFF000  }
0xda: {  	[tilespmem:s24], [sflag:$0x2] =	stream.linear.gather @!p2 [hbm4b:s22+s21], $0x20, $0x38;
	[tilespmem:$0x1CD80] =	vst v63  }
0xdb: {  	p1 =	por p2, p2;
	_ =	swait.ge @!p2 [sflag:s25], $0x20  }
0xdc: {  	[sflag:s25] =	ssyncset.done @!p1 $0x0  }
0xdd: {  	s22 =	simm.s32 @!p1 $0x20;
	s23 =	simm.s32 @!p1 $0x1BD00;
	[sflag:s25] =	ssyncadd.s32 @!p1 $0xFFFFFFE0  }
0xde: {  	[tilespmem:s23], [sflag:$0x2] =	stream.indirect.gather @!p1 [spmem:s1], $0x80, s24, s22, $0xb8;
	[tilespmem:$0x1CD80] =	vst v63  }
0xdf: {  	s2 =	sadd.s32 $0x1, s2;
	_ =	swait.ge @!p1 [sflag:s25], $0x1000  }
0xe0: {  	p2 =	sne.s32 s2, s10;
	[sflag:s25] =	ssyncset.done @!p1 $0x0  }
.Ltmp5:
0xe1: {  	s22 =	simm.s32 @!p1 $0x1;
	[sflag:s25] =	ssyncadd.s32 @!p1 $0xFFFFF000;
	(pc) =	sbr.rel @p2 .LBB2_1-.Ltmp5, $4  }
0xe2: {  	[hbm4b:s20+s21] =	stream.linear.scatter @!p1 [tilespmem:s23], [sflag:$0x1], $0x1000, $0x38;
	[tilespmem:$0x1CD80] =	vst v63  }
0xe3: {  	_ =	swait.ge @!p1 [sflag:s22], $0x1000  }
0xe4: {  	[sflag:s22] =	ssyncset.done @!p1 $0x0  }
0xe5: {  	[sflag:s22] =	ssyncadd.s32 @!p1 $0xFFFFF000  }
0xe6: {  	_ =	sfence.sel $0x180000  }
0xe7: {  	[bflag:$0x0] =	sbarrier.arrive $0xFFFF  }
0xe8: {  	p0 =	sne.s32 s3, $0x0;
	_ =	strace $0x90000047  }
0xe9: {  	s0 =	sadd.s32 @!p0 $0x100000, s0;
	[bflag:$0x2] =	sbarrier.arrive $0xFFFF  }
0xea: {  	[sflag:s0] =	ssyncadd.tile.s32 @!p0 $0x1;
	_ =	shalt  }
.Lfunc_end2:
_tile_overlayer_lowered:
.L_overlay_start_2:
0xeb: {  	(tag) =	ssettag $0x2  }
0xec: {  	s0 =	rddreg [dreg:$0x0];
	s2 =	stileid.u32  }
0xed: {  	s1 =	rddreg [dreg:$0x1];
	p0 =	sne.s32 s2, $0x0  }
0xee: {  	s3 =	rddreg [dreg:$0x2];
	[bflag:$0x3] =	sbarrier.arrive $0xFFFF;
	s2 =	simm.s32 @!p0 $0x1C01  }
0xef: {  	[timem:s3], [sflag:s2] =	dma.local @!p0 [hbm:s0], s1  }
0xf0: {  	s0 =	simm.s32 @!p0 $0x1  }
0xf1: {  	_ =	swait.ge @!p0 [sflag:s0], s1  }
0xf2: {  	s1 =	ssub.s32 @!p0 $0x0, s1;
	[sflag:s0] =	ssyncset.done @!p0 $0x0  }
0xf3: {  	[sflag:s0] =	ssyncadd.s32 @!p0 s1  }
0xf4: {  	[bflag:$0x3] =	sbarrier.arrive $0xFFFF  }
0xf5: {  	_ =	shalt  }

// kernel: kernel.9.cloned.1.call-start
scs
__scs_entry_jumppad:
0x0: {  	(pc) =	sbr.rel $0x88, $3  }
0x1: {  	(tag) =	ssettag $0x0;
	lr =	simm.s32 $0x1  }
0x2: {  	[smem:$0x3F97] =	sst lr;
	_ =	strace $0xD0000000  }
0x3: {  	_ = 	snop  }
0x4: {  	_ = 	snop  }
0x5: {  	_ = 	snop  }
0x6: {  	_ = 	snop  }
0x7: {  	_ = 	snop  }
__scs_overlays_trampoline_lowered:
0x8: {  	[smem:$0x3FA6] =	sst s0  }
0x9: {  	[smem:$0x3FA7] =	sst s1  }
0xa: {  	[smem:$0x3FA8] =	sst s2  }
0xb: {  	[smem:$0x3FA9] =	sst s3  }
0xc: {  	[smem:$0x3FAA] =	sst s4  }
0xd: {  	[smem:$0x3FAB] =	sst s5  }
0xe: {  	[smem:$0x3FAC] =	sst s6  }
0xf: {  	[smem:$0x3FAD] =	sst s7  }
0x10: {  	[smem:$0x3FAE] =	sst s8  }
0x11: {  	[smem:$0x3FAF] =	sst s9;
	s0 =	simm.s32 @!p0 $0x0  }
0x12: {  	s1 =	sld [smem:$0x3F95];
	s0 =	simm.s32 @p0 $0x1  }
0x13: {  	[smem:$0x3FB0] =	sst s0;
	s0 =	simm.s32 @!p1 $0x0  }
0x14: {  	s2 =	sld [smem:$0x3F94];
	s0 =	simm.s32 @p1 $0x1  }
0x15: {  	[smem:$0x3FB1] =	sst s0;
	s0 =	simm.s32 @!p2 $0x0  }
0x16: {  	s3 =	sld [smem:$0x3FDB];
	s0 =	simm.s32 @p2 $0x1  }
0x17: {  	s4 =	simm.s32 $0x1BF5;
	[smem:$0x3FB3] =	sst s0  }
0x18: {  	s0 =	sld [smem:$0x3F96];
	_ =	swait.ge [sflag:s4], $0x0  }
0x19: {  	s7 =	sld [smem:$0x3F97]  }
0x1a: {  	s8 =	sadd.s32 $0xFFFFE003, lr  }
0x1b: {  	s9 =	sadd.s32 $0xFFFFFEF7, lr;
	s5 =	simm.s32 $0xFFFFFFFF;
	p2 =	slt.u32 s8, $0xFFFFF086  }
0x1c: {  	p1 =	slt.u32 s9, $0xF7A;
	s5 =	simm.s32 @!p2 $0x0  }
0x1d: {  	s5 =	simm.s32 @p1 $0x1;
	p0 =	seq.s32 s7, s2  }
0x1e: {  	s7 =	smul.u32 @!p0 $0xF7A, s2;
	p2 =	seq.s32 @!p0 s5, $0x0  }
0x1f: {  	s9 =	smul.u32 $0xF7A, s1;
	s8 =	simm.s32 @!p0 $0x1BF5;
	p2 =	por !p2, p0  }
0x20: {  	[sflag:s8] =	ssyncset.s32 @!p0 $0xFFFFF086;
	s6 =	sadd.s32 @!p0 s3, s7;
	s7 =	simm.s32 @!p0 $0x108  }
0x21: {  	s3 =	sadd.s32 s3, s9;
	s6 =	sadd.s32 @!p0 $0x88, s6;
	s7 =	simm.s32 @p2 $0x1082  }
0x22: {  	[simem:s7], [sflag:s8] =	dma.local @!p0 [hbm:s6], $0xF7A  }
0x23: {  	s9 =	sor.u32 $0xD0000000, s2;
	s6 =	simm.s32 $0x108;
	_ =	swait.ge @!p0 [sflag:s8], $0x0  }
0x24: {  	s3 =	sadd.s32 $0x88, s3;
	s6 =	simm.s32 @!p1 $0x1082;
	[sflag:s4] =	ssyncset.s32 $0xFFFFF086  }
0x25: {  	[simem:s6], [sflag:s4] =	dma.local [hbm:s3], $0xF7A  }
0x26: {  	[smem:$0x3F97] =	sst s1;
	(tag) =	ssettag s2;
	_ =	strace s9  }
0x27: {  	s1 =	sld [smem:$0x3FA7]  }
0x28: {  	s2 =	sld [smem:$0x3FA8]  }
0x29: {  	s4 =	sld [smem:$0x3FAA]  }
0x2a: {  	p0 =	seq.s32 s5, $0x0;
	s5 =	sld [smem:$0x3FAB]  }
0x2b: {  	s6 =	sld [smem:$0x3FAC]  }
0x2c: {  	s7 =	sld [smem:$0x3FAD]  }
0x2d: {  	s3 =	simm.s32 $0x108;
	s8 =	sld [smem:$0x3FAE]  }
0x2e: {  	s3 =	simm.s32 @!p0 $0x1082;
	s9 =	sld [smem:$0x3FAF]  }
0x2f: {  	lr =	sadd.s32 s0, s3;
	s0 =	sld [smem:$0x3FA6]  }
0x30: {  	s3 =	sld [smem:$0x3FA9]  }
0x31: {  	[smem:$0x3FB2] =	sst s10  }
0x32: {  	s10 =	sld [smem:$0x3FB0];
	_ =	sdelay $0x3  }
0x33: {  	p0 =	seq.s32 s10, $0x1;
	s10 =	sld [smem:$0x3FB2];
	_ =	sdelay $0x3  }
0x34: {  	[smem:$0x3FB2] =	sst s10  }
0x35: {  	s10 =	sld [smem:$0x3FB1];
	_ =	sdelay $0x3  }
0x36: {  	p1 =	seq.s32 s10, $0x1;
	s10 =	sld [smem:$0x3FB2];
	_ =	sdelay $0x3  }
0x37: {  	[smem:$0x3FB2] =	sst s10  }
0x38: {  	s10 =	sld [smem:$0x3FB3]  }
0x39: {  	_ = 	snop;
	(pc) =	sbr.ind lr, $3  }
0x3a: {  	_ = 	snop  }
0x3b: {  	_ = 	snop  }
0x3c: {  	p2 =	seq.s32 s10, $0x1;
	s10 =	sld [smem:$0x3FB2]  }
0x3d: {  	_ =	shalt  }
0x3e: {  	_ =	shalt  }
0x3f: {  	_ =	shalt  }
0x40: {  	_ =	shalt  }
0x41: {  	_ =	shalt  }
0x42: {  	_ =	shalt  }
0x43: {  	_ =	shalt  }
0x44: {  	_ =	shalt  }
0x45: {  	_ =	shalt  }
0x46: {  	_ =	shalt  }
0x47: {  	_ =	shalt  }
0x48: {  	_ =	shalt  }
0x49: {  	_ =	shalt  }
0x4a: {  	_ =	shalt  }
0x4b: {  	_ =	shalt  }
0x4c: {  	_ =	shalt  }
0x4d: {  	_ =	shalt  }
0x4e: {  	_ =	shalt  }
0x4f: {  	_ =	shalt  }
0x50: {  	_ =	shalt  }
0x51: {  	_ =	shalt  }
0x52: {  	_ =	shalt  }
0x53: {  	_ =	shalt  }
0x54: {  	_ =	shalt  }
0x55: {  	_ =	shalt  }
0x56: {  	_ =	shalt  }
0x57: {  	_ =	shalt  }
0x58: {  	_ =	shalt  }
0x59: {  	_ =	shalt  }
0x5a: {  	_ =	shalt  }
0x5b: {  	_ =	shalt  }
0x5c: {  	_ =	shalt  }
0x5d: {  	_ =	shalt  }
0x5e: {  	_ =	shalt  }
0x5f: {  	_ =	shalt  }
0x60: {  	_ =	shalt  }
0x61: {  	_ =	shalt  }
0x62: {  	_ =	shalt  }
0x63: {  	_ =	shalt  }
0x64: {  	_ =	shalt  }
0x65: {  	_ =	shalt  }
0x66: {  	_ =	shalt  }
0x67: {  	_ =	shalt  }
0x68: {  	_ =	shalt  }
0x69: {  	_ =	shalt  }
0x6a: {  	_ =	shalt  }
0x6b: {  	_ =	shalt  }
0x6c: {  	_ =	shalt  }
0x6d: {  	_ =	shalt  }
0x6e: {  	_ =	shalt  }
0x6f: {  	_ =	shalt  }
0x70: {  	_ =	shalt  }
0x71: {  	_ =	shalt  }
0x72: {  	_ =	shalt  }
0x73: {  	_ =	shalt  }
0x74: {  	_ =	shalt  }
0x75: {  	_ =	shalt  }
0x76: {  	_ =	shalt  }
0x77: {  	_ =	shalt  }
0x78: {  	_ =	shalt  }
0x79: {  	_ =	shalt  }
0x7a: {  	_ =	shalt  }
0x7b: {  	_ =	shalt  }
0x7c: {  	_ =	shalt  }
0x7d: {  	_ =	shalt  }
0x7e: {  	_ =	shalt  }
0x7f: {  	_ =	shalt  }
0x80: {  	_ =	shalt  }
0x81: {  	_ =	shalt  }
0x82: {  	_ =	shalt  }
0x83: {  	_ =	shalt  }
0x84: {  	_ =	shalt  }
0x85: {  	_ =	shalt  }
0x86: {  	_ =	shalt  }
0x87: {  	_ =	shalt  }
.Lfunc_end0:
.L_simem_size_0:
called_computation.1_lowered:
.L_overlay_start_0:
0x88: {  	s2 =	sld [smem:$0x3FD9]  }
0x89: {  	s3 =	sld [smem:$0x3FFE];
	_ =	sdelay $0x1  }
0x8a: {  	s1 =	srdreg.scid  }
0x8b: {  	s0 =	sand.u32 $0x1, s1  }
0x8c: {  	s16 =	sshll.u32 s0, $0xA;
	s2 =	sadd.s32 s3, s2  }
0x8d: {  	s2 =	sadd.s32 s2, s16  }
0x8e: {  	[smem:$0x3FBE] =	sst s2  }
0x8f: {  	_ = 	snop  }
0x90: {  	(tm) =	ssettm $0x1  }
0x91: {  	s17 =	sld [smem:$0x3FFB];
	_ =	sdelay $0x3  }
0x92: {  	_ =	strace s17  }
0x93: {  	s2 =	sld [smem:$0x3FFC];
	_ =	sdelay $0x3  }
0x94: {  	_ =	strace s2  }
0x95: {  	s2 =	sld [smem:$0x3FFD];
	_ =	sdelay $0x3  }
0x96: {  	_ =	strace s2  }
0x97: {  	_ =	strace $0x8FFFFFFF  }
0x98: {  	s18 =	sld [smem:$0x3FDB];
	_ =	sdelay $0x1  }
0x99: {  	s19 =	simm.s32 $_scs_section_size  }
0x9a: {  	s4 =	simm.s32 $_size__tile_overlayer_lowered;
	s5 =	simm.s32 $_tile_overlayer_lowered  }
0x9b: {  	s22 =	simm.s32 $0x1BFF;
	s21 =	sshll.u32 s5, $0x1;
	s2 =	sadd.s32 s19, s18  }
0x9c: {  	s6 =	simm.s32 $0x0;
	s20 =	sshll.u32 s4, $0x1;
	s4 =	sadd.s32 s21, s2  }
0x9d: {  	[timem:s6], [sflag:s22] =	dma.local [hbm:s4], s20  }
0x9e: {  	_ =	swait.ge [sflag:s22], s20  }
0x9f: {  	s3 =	ssub.s32 $0x0, s20;
	[sflag:s22] =	ssyncset.done $0x0  }
0xa0: {  	[sflag:s22] =	ssyncadd.s32 s3;
	_ =	sdelay $0x1  }
0xa1: {  	s23 =	simm.s32 $0x1B8B  }
0xa2: {  	_ =	swait.ge [sflag:s23], $0x1  }
0xa3: {  	[sflag:s23] =	ssyncset.done $0x0  }
0xa4: {  	s25 =	simm.s32 $0x1B8E;
	s24 =	sld [smem:$0x3FFE];
	[sflag:s23] =	ssyncadd.s32 $0xFFFFFFFF  }
0xa5: {  	s26 =	simm.s32 $execute0_lowered;
	[smem:$0x3FD2] =	sst s25  }
0xa6: {  	s4 =	sshll.u32 s26, $0x1;
	_ =	strace $0x80000049;
	[dreg:$0x1] =	wrdreg $0xFFFFFFFF  }
0xa7: {  	s28 =	simm.s32 $_size_execute0_lowered;
	s2 =	sadd.s32 s2, s4;
	[dreg:$0x0] =	wrdreg $0x0  }
0xa8: {  	s4 =	sshll.u32 s28, $0x1;
	[dreg:$0x2] =	wrdreg s2  }
0xa9: {  	[dreg:$0x3] =	wrdreg s4  }
0xaa: {  	[dreg:$0x4] =	wrdreg $0xC0  }
0xab: {  	_ =	task [dreg:s6], $0x5FFFF  }
0xac: {  	[dreg:$0x1] =	wrdreg $0xFFFFFFFF  }
0xad: {  	[dreg:$0x0] =	wrdreg $0x60  }
0xae: {  	[dreg:$0x2] =	wrdreg s24  }
0xaf: {  	[dreg:$0x3] =	wrdreg $0x0  }
0xb0: {  	[dreg:$0x4] =	wrdreg $0x9  }
0xb1: {  	_ =	task.clear_ibuf [dreg:s6], $0x5FFFF;
	_ =	strace $0x90000049  }
0xb2: {  	s29 =	simm.s32 $0x9;
	_ =	strace $0x8000004B  }
0xb3: {  	_ =	swait.ge [sflag:s29], $0x1  }
0xb4: {  	[sflag:s29] =	ssyncadd.s32 $0xFFFFFFFF  }
0xb5: {  	_ =	strace $0x9000004B  }
0xb6: {  	_ =	sfence  }
0xb7: {  	s30 =	sld [smem:$0x0];
	_ =	sdelay $0x2  }
0xb8: {  	s31 =	sshll.u32 s1, $0xD;
	s1 =	sshrl.u32 s1, $0x2  }
0xb9: {  	s3 =	sand.u32 $0x4000, s31;
	s1 =	sadd.s32 s1, s30  }
0xba: {  	s0 =	sor.u32 s3, s0;
	s1 =	sshll.u32 s1, $0x11  }
0xbb: {  	s0 =	sor.u32 s1, s0  }
0xbc: {  	s0 =	sadd.s32 $0x8F2B, s0  }
0xbd: {  	[sflag:s0] =	ssyncadd.remote.s32 $0x1  }
0xbe: {  	_ =	sfence.sel $0xFFFF  }
0xbf: {  	[dreg:$0x0] =	wrdreg $0xFFFFFFFF;
	(pc) =	sbr.abs _section_cstart, $3  }
0xc0: {  	[dreg:$0x1] =	wrdreg $0xFFFFFFFF  }
0xc1: {  	_ =	task.clear_ibuf [dreg:s6], $0x2FFFF;
	_ =	strace $0x9FFFFFFF  }
0xc2: {  	(tm) =	ssettm $0x7FFFFFFF  }
0xc3: {  	_ =	shalt  }
tec
execute0_lowered:
.L_overlay_start_1:
0x0: {  	(tag) =	ssettag $0x1  }
0x1: {  	s6 =	rddreg [dreg:$0x0]  }
0x2: {  	s1 =	rddreg [dreg:$0x1]  }
0x3: {  	s0 =	rddreg [dreg:$0x2];
	s2 =	simm.s32 $0x0  }
0x4: {  	s5 =	srdreg.scid;
	s3 =	stileid.u32;
	s12 =	simm.s32 $0x13C80  }
0x5: {  	s13 =	simm.s32 $0x40;
	s14 =	simm.s32 $0x15C80;
	[smem:$0x7FF] =	sst s2  }
0x6: {  	s4 =	sadd.s32 $0x2A00, s6;
	s7 =	sand.u32 $0x1, s5;
	s5 =	sadd.s32 $0x8DC00, s6  }
0x7: {  	s8 =	sshll.u32 s3, $0x2;
	s11 =	sshll.u32 s3, $0x9;
	_ =	strace $0x8000004A  }
0x8: {  	s9 =	smul.u32 $0x27800, s7;
	s10 =	ssub.s32 $0x2, s7;
	s7 =	sshll.u32 s7, $0x4  }
0x9: {  	s8 =	sadd.s32 s8, s6;
	s31 =	sshrl.u32 s10, $0x1;
	s7 =	sor.u32 s3, s7  }
0xa: {  	s8 =	sadd.s32 $0x8D600, s8;
	s9 =	sadd.s32 s9, s6;
	s10 =	ssub.s32 s10, s31  }
0xb: {  	s6 =	smul.u32 $0x2860, s7;
	s7 =	smax.u32 s10, $0x1;
	s9 =	sadd.s32 s11, s9  }
0xc: {  	v0 =	vimm.f32 $0.0e+00;
	s10 =	simm.s32 $0x13C00;
	s11 =	simm.s32 $0x1;
	s9 =	sadd.s32 $0xCC00, s9  }
.LBB2_1:
0xd: {  	s15 =	simm.s32 $0x0;
	s16 =	simm.s32 $0x200  }
.LBB2_2:
0xe: {  	p0 =	sne.s32 s16, $0x3E00;
	[tilespmem:s15+$0x17CF0] =	vst v0  }
0xf: {  	[tilespmem:s15+$0x17C80] =	vst v0  }
0x10: {  	[tilespmem:s15+$0x17C90] =	vst v0  }
.Ltmp0:
0x11: {  	[tilespmem:s15+$0x17CA0] =	vst v0;
	(pc) =	sbr.rel @p0 .LBB2_2-.Ltmp0, $4  }
0x12: {  	[tilespmem:s15+$0x17CB0] =	vst v0  }
0x13: {  	[tilespmem:s15+$0x17CC0] =	vst v0  }
0x14: {  	[tilespmem:s15+$0x17CD0] =	vst v0  }
0x15: {  	[tilespmem:s15+$0x17CE0] =	vst v0;
	s15 =	sshra.s32 s16, $0x2;
	s16 =	sadd.s32 $0x200, s16  }
0x16: {  	[tilespmem:s15+$0x17CF0] =	vst v0  }
0x17: {  	[tilespmem:s15+$0x17C80] =	vst v0  }
0x18: {  	[tilespmem:s15+$0x17C90] =	vst v0  }
0x19: {  	[tilespmem:s15+$0x17CA0] =	vst v0  }
0x1a: {  	[tilespmem:s15+$0x17CB0] =	vst v0  }
0x1b: {  	[tilespmem:s15+$0x17CC0] =	vst v0  }
0x1c: {  	[tilespmem:s15+$0x17CD0] =	vst v0  }
0x1d: {  	[tilespmem:s15+$0x17CE0] =	vst v0;
	s15 =	simm.s32 $0x0;
	s16 =	simm.s32 $0x200  }
.LBB2_4:
0x1e: {  	p0 =	sne.s32 s16, $0x7E00;
	[tilespmem:s15+$0x15CF0] =	vst v0  }
0x1f: {  	[tilespmem:s15+$0x15C80] =	vst v0  }
0x20: {  	[tilespmem:s15+$0x15C90] =	vst v0  }
.Ltmp1:
0x21: {  	[tilespmem:s15+$0x15CA0] =	vst v0;
	(pc) =	sbr.rel @p0 .LBB2_4-.Ltmp1, $4  }
0x22: {  	[tilespmem:s15+$0x15CB0] =	vst v0  }
0x23: {  	[tilespmem:s15+$0x15CC0] =	vst v0  }
0x24: {  	[tilespmem:s15+$0x15CD0] =	vst v0  }
0x25: {  	[tilespmem:s15+$0x15CE0] =	vst v0;
	s15 =	sshra.s32 s16, $0x2;
	s16 =	sadd.s32 $0x200, s16  }
0x26: {  	[tilespmem:s15+$0x15CF0] =	vst v0  }
0x27: {  	[tilespmem:s15+$0x15C80] =	vst v0  }
0x28: {  	[tilespmem:s15+$0x15C90] =	vst v0  }
0x29: {  	[tilespmem:s15+$0x15CA0] =	vst v0  }
0x2a: {  	[tilespmem:s15+$0x15CB0] =	vst v0;
	s16 =	sadd.s32 $0x0, s3  }
0x2b: {  	[tilespmem:s15+$0x15CC0] =	vst v0;
	p1 =	sgt.u32 s16, $0x13B  }
0x2c: {  	[tilespmem:s15+$0x15CD0] =	vst v0;
	p0 =	por p1, p1  }
0x2d: {  	[tilespmem:s15+$0x15CE0] =	vst v0;
	s15 =	simm.s32 @!p1 $0x0;
	s16 =	simm.s32 @!p1 $0x18C80;
	s17 =	simm.s32 @!p0 $0x2  }
0x2e: {  	[tilespmem:s16], [sflag:$0x2] =	stream.linear.gather @!p0 [hbm4b:s8+s15], $0x20, $0x38;
	[tilespmem:$0x18D00] =	vst v63  }
0x2f: {  	_ =	swait.ge @!p0 [sflag:s17], $0x20  }
0x30: {  	s31 =	sadd.s32 $0x10, s3;
	[sflag:s17] =	ssyncset.done @!p0 $0x0  }
0x31: {  	s15 =	simm.s32 @!p0 $0x20;
	[sflag:s17] =	ssyncadd.s32 @!p0 $0xFFFFFFE0;
	s17 =	simm.s32 @!p0 $0x17C80  }
0x32: {  	[spmem:s1] =	stream.indirect.scatter @!p0 [tilespmem:s17], [sflag:$0x1], $0x80, s16, s15, $0xb8;
	[tilespmem:$0x18D00] =	vst v63  }
0x33: {  	p1 =	sgt.u32 s31, $0x13B;
	s17 =	simm.s32 @!p0 $0x1  }
0x34: {  	s16 =	simm.s32 $0x20;
	s15 =	sadd.s32 $0x40, s8;
	_ =	swait.ge @!p0 [sflag:s17], $0x1000  }
.LBB2_6:
0x35: {  	s18 =	simm.s32 @!p1 $0x0  }
0x36: {  	s19 =	simm.s32 @!p1 $0x18C80;
	[sflag:s17] =	ssyncset.done @!p0 $0x0;
	s20 =	smov.u32 s16  }
0x37: {  	p2 =	por p0, p0;
	p0 =	por p1, p1;
	s16 =	sadd.s32 $0x10, s16  }
0x38: {  	s21 =	simm.s32 @!p0 $0x2;
	[sflag:s17] =	ssyncadd.s32 @!p2 $0xFFFFF000;
	p2 =	sne.s32 s16, $0x140  }
0x39: {  	[tilespmem:s19], [sflag:$0x2] =	stream.linear.gather @!p0 [hbm4b:s15+s18], $0x20, $0x38;
	[tilespmem:$0x18D00] =	vst v63  }
.Ltmp2:
0x3a: {  	_ =	swait.ge @!p0 [sflag:s21], $0x20;
	(pc) =	sbr.rel @p2 .LBB2_6-.Ltmp2, $4  }
0x3b: {  	s17 =	simm.s32 @!p0 $0x1;
	s18 =	sadd.s32 s20, s3;
	[sflag:s21] =	ssyncset.done @!p0 $0x0  }
0x3c: {  	s20 =	simm.s32 @!p0 $0x20;
	[sflag:s21] =	ssyncadd.s32 @!p0 $0xFFFFFFE0;
	s21 =	simm.s32 @!p0 $0x17C80  }
0x3d: {  	[spmem:s1] =	stream.indirect.scatter @!p0 [tilespmem:s21], [sflag:$0x1], $0x80, s19, s20, $0xb8;
	[tilespmem:$0x18D00] =	vst v63  }
0x3e: {  	s15 =	sadd.s32 $0x40, s15;
	p1 =	sgt.u32 s18, $0x13B;
	_ =	swait.ge @!p0 [sflag:s17], $0x1000  }
0x3f: {  	s16 =	simm.s32 @!p1 $0x0  }
0x40: {  	[sflag:s17] =	ssyncset.done @!p0 $0x0;
	p0 =	por p0, p0;
	p2 =	por p1, p1  }
0x41: {  	s18 =	simm.s32 @!p1 $0x18C80;
	s19 =	simm.s32 @!p2 $0x2;
	[sflag:s17] =	ssyncadd.s32 @!p0 $0xFFFFF000  }
0x42: {  	[tilespmem:s18], [sflag:$0x2] =	stream.linear.gather @!p2 [hbm4b:s15+s16], $0x20, $0x38;
	[tilespmem:$0x18D00] =	vst v63  }
0x43: {  	_ =	swait.ge @!p2 [sflag:s19], $0x20  }
0x44: {  	s17 =	simm.s32 @!p2 $0x17C80;
	[sflag:s19] =	ssyncset.done @!p2 $0x0  }
0x45: {  	s15 =	simm.s32 @!p2 $0x1;
	s16 =	simm.s32 @!p2 $0x20;
	[sflag:s19] =	ssyncadd.s32 @!p2 $0xFFFFFFE0  }
0x46: {  	[spmem:s1] =	stream.indirect.scatter @!p2 [tilespmem:s17], [sflag:$0x1], $0x80, s18, s16, $0xb8;
	[tilespmem:$0x18D00] =	vst v63  }
0x47: {  	_ =	swait.ge @!p2 [sflag:s15], $0x1000  }
0x48: {  	p0 =	por p2, p2;
	[sflag:s15] =	ssyncset.done @!p2 $0x0  }
0x49: {  	[sflag:s15] =	ssyncadd.s32 @!p0 $0xFFFFF000  }
0x4a: {  	s16 =	simm.s32 $0x0;
	s15 =	simm.s32 $0x0;
	[bflag:$0x0] =	sbarrier.arrive $0xFFFF  }
.LBB2_8:
0x4b: {  	s17 =	sshll.u32 s16, $0x6  }
0x4c: {  	s17 =	sadd.s32 s6, s17  }
0x4d: {  	s18 =	sshrl.u32 s17, $0x3  }
0x4e: {  	s18 =	sadd.s32 s4, s18  }
0x4f: {  	[tilespmem:s10], [sflag:$0x1] =	stream.linear.gather [hbm4b:s18+s15], $0x40, $0x38;
	[tilespmem:$0x18D00] =	vst v63  }
0x50: {  	_ =	swait.ge [sflag:s11], $0x40  }
0x51: {  	s17 =	sshll.u32 s17, $0x4;
	[sflag:s11] =	ssyncset.done $0x0  }
0x52: {  	s17 =	sadd.s32 s5, s17;
	[sflag:s11] =	ssyncadd.s32 $0xFFFFFFC0  }
0x53: {  	[tilespmem:s12], [sflag:$0x1] =	stream.linear.gather [hbm4b:s17+s15], $0x2000, $0x38;
	[tilespmem:$0x18D00] =	vst v63  }
0x54: {  	_ =	swait.ge [sflag:s11], $0x2000  }
0x55: {  	[sflag:s11] =	ssyncset.done $0x0  }
0x56: {  	s17 =	simm.s32 $0x0;
	[sflag:s11] =	ssyncadd.s32 $0xFFFFE000  }
0x57: {  	s18 =	simm.s32 $0x200;
	v1 =	vld [tilespmem:s17+$0x13C80]  }
.LBB2_9:
0x58: {  	p0 =	sne.s32 s18, $0x7E00  }
.Ltmp3:
0x59: {  	_ = 	snop;
	(pc) =	sbr.rel @p0 .LBB2_9-.Ltmp3, $3  }
0x5a: {  	_ =	sdelay $0x1  }
0x5b: {  	[tilespmem:s17+$0x15C80] =	vst v1;
	s17 =	sshra.s32 s18, $0x2;
	s18 =	sadd.s32 $0x200, s18  }
0x5c: {  	v1 =	vld [tilespmem:s17+$0x13C80]  }
0x5d: {  	_ =	sdelay $0x1  }
0x5e: {  	s16 =	sadd.s32 $0x1, s16  }
0x5f: {  	p0 =	sne.s32 s16, $0xA1  }
.Ltmp4:
0x60: {  	[tilespmem:s17+$0x15C80] =	vst v1;
	(pc) =	sbr.rel @p0 .LBB2_8-.Ltmp4, $4  }
0x61: {  	[spmem:s1] =	stream.indirect.scatter.add.f32 [tilespmem:s14], [sflag:$0x1], $0x80, s10, s13, $0xb8;
	[tilespmem:$0x18D00] =	vst v63  }
0x62: {  	_ =	swait.ge [sflag:s11], $0x2000  }
0x63: {  	[sflag:s11] =	ssyncset.done $0x0  }
0x64: {  	[sflag:s11] =	ssyncadd.s32 $0xFFFFE000  }
0x65: {  	s15 =	sadd.s32 $0x0, s3  }
0x66: {  	[bflag:$0x0] =	sbarrier.arrive $0xFFFF;
	p0 =	sgt.u32 s15, $0x13B  }
0x67: {  	s15 =	simm.s32 @!p0 $0x0;
	s16 =	simm.s32 @!p0 $0x18C80;
	s17 =	simm.s32 @!p0 $0x2  }
0x68: {  	[tilespmem:s16], [sflag:$0x2] =	stream.linear.gather @!p0 [hbm4b:s8+s15], $0x20, $0x38;
	[tilespmem:$0x18D00] =	vst v63  }
0x69: {  	_ =	swait.ge @!p0 [sflag:s17], $0x20;
	p0 =	por p0, p0  }
0x6a: {  	[sflag:s17] =	ssyncset.done @!p0 $0x0  }
0x6b: {  	s18 =	simm.s32 @!p0 $0x20;
	s19 =	simm.s32 @!p0 $0x17C80;
	[sflag:s17] =	ssyncadd.s32 @!p0 $0xFFFFFFE0  }
0x6c: {  	[tilespmem:s19], [sflag:$0x2] =	stream.indirect.gather @!p0 [spmem:s1], $0x80, s16, s18, $0xb8;
	[tilespmem:$0x18D00] =	vst v63  }
0x6d: {  	s31 =	sadd.s32 $0x10, s3;
	_ =	swait.ge @!p0 [sflag:s17], $0x1000  }
0x6e: {  	p1 =	sgt.u32 s31, $0x13B;
	[sflag:s17] =	ssyncset.done @!p0 $0x0  }
0x6f: {  	s16 =	simm.s32 $0x20;
	s18 =	simm.s32 @!p0 $0x1;
	[sflag:s17] =	ssyncadd.s32 @!p0 $0xFFFFF000  }
0x70: {  	[hbm4b:s9+s15] =	stream.linear.scatter @!p0 [tilespmem:s19], [sflag:$0x1], $0x1000, $0x38;
	[tilespmem:$0x18D00] =	vst v63  }
0x71: {  	s17 =	sadd.s32 $0x40, s8;
	s15 =	sadd.s32 $0x2000, s9;
	_ =	swait.ge @!p0 [sflag:s18], $0x1000  }
.LBB2_12:
0x72: {  	s19 =	simm.s32 @!p1 $0x0;
	s20 =	simm.s32 @!p1 $0x18C80  }
0x73: {  	[sflag:s18] =	ssyncset.done @!p0 $0x0;
	s21 =	smov.u32 s16;
	s22 =	smov.u32 s15  }
0x74: {  	s16 =	sadd.s32 $0x10, s16;
	s23 =	simm.s32 @!p1 $0x2;
	[sflag:s18] =	ssyncadd.s32 @!p0 $0xFFFFF000  }
0x75: {  	[tilespmem:s20], [sflag:$0x2] =	stream.linear.gather @!p1 [hbm4b:s17+s19], $0x20, $0x38;
	[tilespmem:$0x18D00] =	vst v63  }
0x76: {  	p2 =	sne.s32 s16, $0x140;
	p0 =	por p1, p1;
	_ =	swait.ge @!p1 [sflag:s23], $0x20  }
0x77: {  	[sflag:s23] =	ssyncset.done @!p0 $0x0  }
0x78: {  	s18 =	simm.s32 @!p0 $0x20;
	s24 =	simm.s32 @!p0 $0x17C80;
	[sflag:s23] =	ssyncadd.s32 @!p0 $0xFFFFFFE0  }
0x79: {  	[tilespmem:s24], [sflag:$0x2] =	stream.indirect.gather @!p0 [spmem:s1], $0x80, s20, s18, $0xb8;
	[tilespmem:$0x18D00] =	vst v63  }
.Ltmp5:
0x7a: {  	_ =	swait.ge @!p0 [sflag:s23], $0x1000;
	(pc) =	sbr.rel @p2 .LBB2_12-.Ltmp5, $4  }
0x7b: {  	s15 =	sadd.s32 $0x2000, s15;
	[sflag:s23] =	ssyncset.done @!p0 $0x0  }
0x7c: {  	s20 =	sadd.s32 s21, s3;
	s18 =	simm.s32 @!p0 $0x1;
	[sflag:s23] =	ssyncadd.s32 @!p0 $0xFFFFF000  }
0x7d: {  	[hbm4b:s22+s19] =	stream.linear.scatter @!p0 [tilespmem:s24], [sflag:$0x1], $0x1000, $0x38;
	[tilespmem:$0x18D00] =	vst v63  }
0x7e: {  	s17 =	sadd.s32 $0x40, s17;
	p1 =	sgt.u32 s20, $0x13B;
	_ =	swait.ge @!p0 [sflag:s18], $0x1000  }
0x7f: {  	s16 =	simm.s32 @!p1 $0x0;
	[sflag:s18] =	ssyncset.done @!p0 $0x0  }
0x80: {  	s19 =	simm.s32 @!p1 $0x18C80;
	s20 =	simm.s32 @!p1 $0x2;
	[sflag:s18] =	ssyncadd.s32 @!p0 $0xFFFFF000  }
0x81: {  	[tilespmem:s19], [sflag:$0x2] =	stream.linear.gather @!p1 [hbm4b:s17+s16], $0x20, $0x38;
	[tilespmem:$0x18D00] =	vst v63  }
0x82: {  	p0 =	por p1, p1;
	_ =	swait.ge @!p1 [sflag:s20], $0x20  }
0x83: {  	[sflag:s20] =	ssyncset.done @!p0 $0x0  }
0x84: {  	s17 =	simm.s32 @!p0 $0x20;
	s18 =	simm.s32 @!p0 $0x17C80;
	[sflag:s20] =	ssyncadd.s32 @!p0 $0xFFFFFFE0  }
0x85: {  	[tilespmem:s18], [sflag:$0x2] =	stream.indirect.gather @!p0 [spmem:s1], $0x80, s19, s17, $0xb8;
	[tilespmem:$0x18D00] =	vst v63  }
0x86: {  	s2 =	sadd.s32 $0x1, s2;
	_ =	swait.ge @!p0 [sflag:s20], $0x1000  }
0x87: {  	p1 =	sne.s32 s2, s7;
	[sflag:s20] =	ssyncset.done @!p0 $0x0  }
.Ltmp6:
0x88: {  	s17 =	simm.s32 @!p0 $0x1;
	[sflag:s20] =	ssyncadd.s32 @!p0 $0xFFFFF000;
	(pc) =	sbr.rel @p1 .LBB2_1-.Ltmp6, $4  }
0x89: {  	[hbm4b:s15+s16] =	stream.linear.scatter @!p0 [tilespmem:s18], [sflag:$0x1], $0x1000, $0x38;
	[tilespmem:$0x18D00] =	vst v63  }
0x8a: {  	_ =	swait.ge @!p0 [sflag:s17], $0x1000  }
0x8b: {  	[sflag:s17] =	ssyncset.done @!p0 $0x0  }
0x8c: {  	[sflag:s17] =	ssyncadd.s32 @!p0 $0xFFFFF000  }
0x8d: {  	_ =	sfence.sel $0x180000  }
0x8e: {  	[bflag:$0x0] =	sbarrier.arrive $0xFFFF  }
0x8f: {  	p0 =	sne.s32 s3, $0x0;
	_ =	strace $0x9000004A  }
0x90: {  	s0 =	sadd.s32 @!p0 $0x100000, s0;
	[bflag:$0x2] =	sbarrier.arrive $0xFFFF  }
0x91: {  	[sflag:s0] =	ssyncadd.tile.s32 @!p0 $0x1;
	_ =	shalt  }
.Lfunc_end2:
_tile_overlayer_lowered:
.L_overlay_start_2:
0x92: {  	(tag) =	ssettag $0x2  }
0x93: {  	s0 =	rddreg [dreg:$0x0];
	s2 =	stileid.u32  }
0x94: {  	s1 =	rddreg [dreg:$0x1];
	p0 =	sne.s32 s2, $0x0  }
0x95: {  	s3 =	rddreg [dreg:$0x2];
	[bflag:$0x3] =	sbarrier.arrive $0xFFFF;
	s2 =	simm.s32 @!p0 $0x1C01  }
0x96: {  	[timem:s3], [sflag:s2] =	dma.local @!p0 [hbm:s0], s1  }
0x97: {  	s0 =	simm.s32 @!p0 $0x1  }
0x98: {  	_ =	swait.ge @!p0 [sflag:s0], s1  }
0x99: {  	s1 =	ssub.s32 @!p0 $0x0, s1;
	[sflag:s0] =	ssyncset.done @!p0 $0x0  }
0x9a: {  	[sflag:s0] =	ssyncadd.s32 @!p0 s1  }
0x9b: {  	[bflag:$0x3] =	sbarrier.arrive $0xFFFF  }
0x9c: {  	_ =	shalt  }

</sc_bundles>
